<compile_context>
chip_gen: v7x
topology: tpu7x:2x2x1
jax: 0.10.2.dev20260603
libtpu: 0.0.44.dev20260713+nightly
codegen_flags: <defaults>
</compile_context>

<pallas_src>
import functools

import jax
import jax.numpy as jnp
from jax import lax
from jax.experimental import pallas as pl
from jax.experimental.pallas import tpu as pltpu
from jax.experimental.pallas import tpu_sc as plsc

_N = 10000
_E = 320000
_N_H = 128
_N_G = 128
_N_X = 16
_G = 16

_NC = 2
_NS = 16
_NW = _NC * _NS
_L = 16
_S = 2560
_NP = 4
_EPW = _S * _NP


def _node_proj_body(xh_ref, xg_ref, u_ref, w1_ref, b1_ref, w2_ref, b2_ref,
                    a_ref, b_ref, misc_ref):
    cdims = (((1,), (1,)), ((), ()))
    w1h = w1_ref[pl.ds(0, _N_H)].reshape(1, _N_H)
    w1g = w1_ref[pl.ds(_N_H, _N_G)].reshape(1, _N_G)
    w1u = w1_ref[pl.ds(_N_H + _N_G + _N_X, 16)].reshape(1, 16)
    a_ref[...] = lax.dot_general(
        w1h, xh_ref[...], cdims,
        preferred_element_type=jnp.float32).reshape(_N)
    b_ref[...] = lax.dot_general(
        w1g, xg_ref[...], cdims,
        preferred_element_type=jnp.float32).reshape(_N)
    d = lax.dot_general(w1u, u_ref[...], cdims,
                        preferred_element_type=jnp.float32) + b1_ref[...]
    ones = jnp.ones((1, _L), jnp.float32)
    misc = jnp.concatenate([d, w2_ref[...] * ones, b2_ref[...] * ones],
                           axis=1)
    misc_ref[...] = misc.reshape(3 * _L)


_node_proj = pl.pallas_call(
    _node_proj_body,
    out_shape=(
        jax.ShapeDtypeStruct((_N,), jnp.float32),
        jax.ShapeDtypeStruct((_N,), jnp.float32),
        jax.ShapeDtypeStruct((3 * _L,), jnp.float32),
    ),
)


def _edge_proj_body(eat_ref, w1_ref, c_ref):
    w1x = w1_ref[pl.ds(_N_H + _N_G, _N_X)].reshape(1, _N_X)
    cdims = (((1,), (0,)), ((), ()))
    c_ref[...] = lax.dot_general(
        w1x, eat_ref[...], cdims,
        preferred_element_type=jnp.float32).reshape(_E)


_edge_proj = pl.pallas_call(
    _edge_proj_body,
    out_shape=jax.ShapeDtypeStruct((_E,), jnp.float32),
)


@functools.partial(
    pl.kernel,
    out_type=jax.ShapeDtypeStruct((_E,), jnp.float32),
    mesh=plsc.VectorSubcoreMesh(core_axis_name="c", subcore_axis_name="s"),
    compiler_params=pltpu.CompilerParams(needs_layout_passes=False),
    scratch_types=[
        pltpu.VMEM((_N,), jnp.float32),
        pltpu.VMEM((_N,), jnp.float32),
        pltpu.VMEM((3 * _L,), jnp.float32),
        pltpu.VMEM((2, _S), jnp.int32),
        pltpu.VMEM((_S,), jnp.int32),
        pltpu.VMEM((_S,), jnp.float32),
        pltpu.VMEM((_S,), jnp.float32),
    ],
)
def _sc_combine(a_hbm, b_hbm, misc_hbm, ei_hbm, bat_hbm, c_hbm, out_hbm,
                a_v, b_v, misc_v, st_v, bat_v, c_v, out_v):
    wid = lax.axis_index("s") * _NC + lax.axis_index("c")
    base = wid * _EPW
    pltpu.sync_copy(a_hbm, a_v)
    pltpu.sync_copy(b_hbm, b_v)
    pltpu.sync_copy(misc_hbm, misc_v)

    w2 = misc_v[pl.ds(_L, _L)]
    b2 = misc_v[pl.ds(2 * _L, _L)]

    for p in range(_NP):
        pb = base + p * _S

        @pl.when(pb < _E)
        def _one_pass(pb=pb):
            pltpu.sync_copy(ei_hbm.at[:, pl.ds(pb, _S)], st_v)
            pltpu.sync_copy(bat_hbm.at[pl.ds(pb, _S)], bat_v)
            pltpu.sync_copy(c_hbm.at[pl.ds(pb, _S)], c_v)

            def body(i, carry):
                o = i * _L
                h = (plsc.load_gather(a_v, [st_v[0, pl.ds(o, _L)]])
                     + plsc.load_gather(b_v, [st_v[1, pl.ds(o, _L)]])
                     + plsc.load_gather(misc_v, [bat_v[pl.ds(o, _L)]])
                     + c_v[pl.ds(o, _L)])
                h = jnp.where(h >= 0.0, h, h * jnp.float32(0.1))
                out_v[pl.ds(o, _L)] = h * w2 + b2
                return carry

            lax.fori_loop(0, _S // _L, body, 0)
            pltpu.sync_copy(out_v, out_hbm.at[pl.ds(pb, _S)])


def kernel(x_h, x_g, edge_index, edge_attr, u, batch_e, W1, b1, W2, b2):
    ei = edge_index.astype(jnp.int32)
    bat = batch_e.astype(jnp.int32)
    w1 = W1.reshape(_N_H + _N_G + _N_X + 16)

    a, b, misc = _node_proj(x_h, x_g, u, w1, b1.reshape(1, 1),
                            W2.reshape(1, 1), b2.reshape(1, 1))
    c = _edge_proj(edge_attr.T, w1)
    out = _sc_combine(a, b, misc, ei, bat, c)
    return out.reshape(_E, 1)

# --- scband reference (transcript-rebuilt; emitter-appended) ---
"""Pipeline reference for scband-edge-model-out-31748398252727 (READ-ONLY COPY).

The authoritative reference and input builder live on the scoring server;
editing this copy changes nothing except your own understanding.
"""

import jax, jax.numpy as jnp
import numpy as np

N = 10000
E = 320000
N_H = 128
N_G = 128
N_X = 16
N_U = 16
G = 16
N_OUT = 1
D_IN = N_H + N_G + N_X + N_U  # 288


def setup_inputs(seed: int = 0) -> dict:
    key = jax.random.key(seed)
    ks = jax.random.split(key, 10)
    x_h = jax.random.normal(ks[0], (N, N_H), dtype=jnp.float32)
    x_g = jax.random.normal(ks[1], (N, N_G), dtype=jnp.float32)
    edge_index = jax.random.randint(ks[2], (2, E), 0, N, dtype=jnp.int64)
    edge_attr = jax.random.normal(ks[3], (E, N_X), dtype=jnp.float32)
    u = jax.random.normal(ks[4], (G, N_U), dtype=jnp.float32)
    batch_e = jnp.sort(jax.random.randint(ks[5], (E,), 0, G, dtype=jnp.int64))
    # MLP parameters: Lin(288, 1) -> LeakyReLU(0.1) -> Lin(1, 1)
    W1 = jax.random.normal(ks[6], (D_IN, N_OUT), dtype=jnp.float32) * (1.0 / np.sqrt(D_IN))
    b1 = jnp.zeros((N_OUT,), dtype=jnp.float32)
    W2 = jax.random.normal(ks[7], (N_OUT, N_OUT), dtype=jnp.float32)
    b2 = jnp.zeros((N_OUT,), dtype=jnp.float32)
    return {"x_h": x_h, "x_g": x_g, "edge_index": edge_index, "edge_attr": edge_attr,
            "u": u, "batch_e": batch_e, "W1": W1, "b1": b1, "W2": W2, "b2": b2}


def _leaky_relu(x, slope=0.1):
    return jnp.where(x >= 0, x, slope * x)


def reference(x_h, x_g, edge_index, edge_attr, u, batch_e, W1, b1, W2, b2):
    src = edge_index[0]
    tgt = edge_index[1]
    out = jnp.concatenate([jnp.take(x_h, src, axis=0),
                           jnp.take(x_g, tgt, axis=0),
                           edge_attr,
                           jnp.take(u, batch_e, axis=0)], axis=1)
    h = out @ W1 + b1
    h = _leaky_relu(h, 0.1)
    h = h @ W2 + b2
    return h

if __name__ == "__main__":
    import jax
    _d = setup_inputs()
    print(jax.jit(kernel)(*tuple(_d.values())))

</pallas_src>

<mosaic_0001>
#map = affine_map<(d0, d1) -> (0)>
#map1 = affine_map<(d0, d1) -> (0, 0)>
module attributes {stable_mosaic.version = 14 : i64} {
  func.func @_sc_combine(%arg0: i32, %arg1: i32, %arg2: memref<10000xf32, #tpu.memory_space<hbm>>, %arg3: memref<10000xf32, #tpu.memory_space<hbm>>, %arg4: memref<48xf32, #tpu.memory_space<hbm>>, %arg5: memref<2x320000xi32, #tpu.memory_space<hbm>>, %arg6: memref<320000xi32, #tpu.memory_space<hbm>>, %arg7: memref<320000xf32, #tpu.memory_space<hbm>>, %arg8: memref<320000xf32, #tpu.memory_space<hbm>>, %arg9: memref<10000xf32, #tpu.memory_space<vmem>>, %arg10: memref<10000xf32, #tpu.memory_space<vmem>>, %arg11: memref<48xf32, #tpu.memory_space<vmem>>, %arg12: memref<2x2560xi32, #tpu.memory_space<vmem>>, %arg13: memref<2560xi32, #tpu.memory_space<vmem>>, %arg14: memref<2560xf32, #tpu.memory_space<vmem>>, %arg15: memref<2560xf32, #tpu.memory_space<vmem>>) attributes {dimension_semantics = [#tpu.dimension_semantics<core_parallel>, #tpu.dimension_semantics<subcore_parallel>], iteration_bounds = array<i64: 2, 16>, scalar_prefetch = 0 : i64, scratch_operands = 7 : i64, tpu.core_type = #tpu.core_type<sc_vector_subcore>, window_params = [{transform_indices = #map}, {transform_indices = #map}, {transform_indices = #map}, {transform_indices = #map1}, {transform_indices = #map}, {transform_indices = #map}, {transform_indices = #map}]} {
    %mul3A = arith.constant 2 : i32
    %mul3A_0 = arith.muli %arg1, %mul3A : i32
    %add3A = arith.addi %mul3A_0, %arg0 : i32
    %mul3A_1 = arith.constant 10240 : i32
    %mul3A_2 = arith.muli %add3A, %mul3A_1 : i32
    "tpu.region"() ({
      %run_scoped3A = tpu.sem_alloc : memref<!tpu.dma_semaphore, #tpu.memory_space<semaphore_mem>>
      tpu.enqueue_dma source(%arg2 : memref<10000xf32, #tpu.memory_space<hbm>>) target(%arg9 : memref<10000xf32, #tpu.memory_space<vmem>>) target_semaphore(%run_scoped3A : memref<!tpu.dma_semaphore, #tpu.memory_space<semaphore_mem>>)
      tpu.wait_dma2 semaphore(%run_scoped3A : memref<!tpu.dma_semaphore, #tpu.memory_space<semaphore_mem>>) src(%arg2 : memref<10000xf32, #tpu.memory_space<hbm>>) dst(%arg9 : memref<10000xf32, #tpu.memory_space<vmem>>)
      tpu.yield
    }) : () -> ()
    "tpu.region"() ({
      %run_scoped3A = tpu.sem_alloc : memref<!tpu.dma_semaphore, #tpu.memory_space<semaphore_mem>>
      tpu.enqueue_dma source(%arg3 : memref<10000xf32, #tpu.memory_space<hbm>>) target(%arg10 : memref<10000xf32, #tpu.memory_space<vmem>>) target_semaphore(%run_scoped3A : memref<!tpu.dma_semaphore, #tpu.memory_space<semaphore_mem>>)
      tpu.wait_dma2 semaphore(%run_scoped3A : memref<!tpu.dma_semaphore, #tpu.memory_space<semaphore_mem>>) src(%arg3 : memref<10000xf32, #tpu.memory_space<hbm>>) dst(%arg10 : memref<10000xf32, #tpu.memory_space<vmem>>)
      tpu.yield
    }) : () -> ()
    "tpu.region"() ({
      %run_scoped3A = tpu.sem_alloc : memref<!tpu.dma_semaphore, #tpu.memory_space<semaphore_mem>>
      tpu.enqueue_dma source(%arg4 : memref<48xf32, #tpu.memory_space<hbm>>) target(%arg11 : memref<48xf32, #tpu.memory_space<vmem>>) target_semaphore(%run_scoped3A : memref<!tpu.dma_semaphore, #tpu.memory_space<semaphore_mem>>)
      tpu.wait_dma2 semaphore(%run_scoped3A : memref<!tpu.dma_semaphore, #tpu.memory_space<semaphore_mem>>) src(%arg4 : memref<48xf32, #tpu.memory_space<hbm>>) dst(%arg11 : memref<48xf32, #tpu.memory_space<vmem>>)
      tpu.yield
    }) : () -> ()
    %get3A = arith.constant 16 : index
    %get3A_3 = tpu.vector_load %arg11[%get3A] {strides = array<i32>} : memref<48xf32, #tpu.memory_space<vmem>>, vector<16xf32>,
    %get3A_4 = arith.constant 32 : index
    %get3A_5 = tpu.vector_load %arg11[%get3A_4] {strides = array<i32>} : memref<48xf32, #tpu.memory_space<vmem>>, vector<16xf32>,
    %add3A_6 = arith.constant 0 : i32
    %add3A_7 = arith.addi %mul3A_2, %add3A_6 : i32
    %lt3A = arith.constant 320000 : i32
    %lt3A_8 = arith.cmpi slt, %add3A_7, %lt3A : i32
    %convert_element_type3A = arith.extui %lt3A_8 : i1 to i32
    %cond3A = arith.constant 0 : i32
    %cond3A_9 = arith.cmpi ne, %convert_element_type3A, %cond3A : i32
    scf.if %cond3A_9 {
      "tpu.region"() ({
        %run_scoped3A = tpu.sem_alloc : memref<!tpu.dma_semaphore, #tpu.memory_space<semaphore_mem>>
        %dma_start3A = arith.constant 0 : i32
        %dma_start3A_36 = tpu.memref_slice %arg5[%dma_start3A, %add3A_7] : memref<2x320000xi32, #tpu.memory_space<hbm>> -> memref<2x2560xi32, #tpu.memory_space<hbm>>
        %dma_start3A_37 = arith.constant 0 : i32
        %dma_start3A_38 = tpu.memref_slice %arg5[%dma_start3A_37, %add3A_7] : memref<2x320000xi32, #tpu.memory_space<hbm>> -> memref<2x2560xi32, #tpu.memory_space<hbm>>
        tpu.enqueue_dma source(%dma_start3A_38 : memref<2x2560xi32, #tpu.memory_space<hbm>>) target(%arg12 : memref<2x2560xi32, #tpu.memory_space<vmem>>) target_semaphore(%run_scoped3A : memref<!tpu.dma_semaphore, #tpu.memory_space<semaphore_mem>>)
        %dma_wait3A = arith.constant 0 : i32
        %dma_wait3A_39 = tpu.memref_slice %arg5[%dma_wait3A, %add3A_7] : memref<2x320000xi32, #tpu.memory_space<hbm>> -> memref<2x2560xi32, #tpu.memory_space<hbm>>
        %dma_wait3A_40 = arith.constant 0 : i32
        %dma_wait3A_41 = tpu.memref_slice %arg5[%dma_wait3A_40, %add3A_7] : memref<2x320000xi32, #tpu.memory_space<hbm>> -> memref<2x2560xi32, #tpu.memory_space<hbm>>
        tpu.wait_dma2 semaphore(%run_scoped3A : memref<!tpu.dma_semaphore, #tpu.memory_space<semaphore_mem>>) src(%dma_wait3A_41 : memref<2x2560xi32, #tpu.memory_space<hbm>>) dst(%arg12 : memref<2x2560xi32, #tpu.memory_space<vmem>>)
        tpu.yield
      }) : () -> ()
      "tpu.region"() ({
        %run_scoped3A = tpu.sem_alloc : memref<!tpu.dma_semaphore, #tpu.memory_space<semaphore_mem>>
        %dma_start3A = tpu.memref_slice %arg6[%add3A_7] : memref<320000xi32, #tpu.memory_space<hbm>> -> memref<2560xi32, #tpu.memory_space<hbm>>
        %dma_start3A_36 = tpu.memref_slice %arg6[%add3A_7] : memref<320000xi32, #tpu.memory_space<hbm>> -> memref<2560xi32, #tpu.memory_space<hbm>>
        tpu.enqueue_dma source(%dma_start3A_36 : memref<2560xi32, #tpu.memory_space<hbm>>) target(%arg13 : memref<2560xi32, #tpu.memory_space<vmem>>) target_semaphore(%run_scoped3A : memref<!tpu.dma_semaphore, #tpu.memory_space<semaphore_mem>>)
        %dma_wait3A = tpu.memref_slice %arg6[%add3A_7] : memref<320000xi32, #tpu.memory_space<hbm>> -> memref<2560xi32, #tpu.memory_space<hbm>>
        %dma_wait3A_37 = tpu.memref_slice %arg6[%add3A_7] : memref<320000xi32, #tpu.memory_space<hbm>> -> memref<2560xi32, #tpu.memory_space<hbm>>
        tpu.wait_dma2 semaphore(%run_scoped3A : memref<!tpu.dma_semaphore, #tpu.memory_space<semaphore_mem>>) src(%dma_wait3A_37 : memref<2560xi32, #tpu.memory_space<hbm>>) dst(%arg13 : memref<2560xi32, #tpu.memory_space<vmem>>)
        tpu.yield
      }) : () -> ()
      "tpu.region"() ({
        %run_scoped3A = tpu.sem_alloc : memref<!tpu.dma_semaphore, #tpu.memory_space<semaphore_mem>>
        %dma_start3A = tpu.memref_slice %arg7[%add3A_7] : memref<320000xf32, #tpu.memory_space<hbm>> -> memref<2560xf32, #tpu.memory_space<hbm>>
        %dma_start3A_36 = tpu.memref_slice %arg7[%add3A_7] : memref<320000xf32, #tpu.memory_space<hbm>> -> memref<2560xf32, #tpu.memory_space<hbm>>
        tpu.enqueue_dma source(%dma_start3A_36 : memref<2560xf32, #tpu.memory_space<hbm>>) target(%arg14 : memref<2560xf32, #tpu.memory_space<vmem>>) target_semaphore(%run_scoped3A : memref<!tpu.dma_semaphore, #tpu.memory_space<semaphore_mem>>)
        %dma_wait3A = tpu.memref_slice %arg7[%add3A_7] : memref<320000xf32, #tpu.memory_space<hbm>> -> memref<2560xf32, #tpu.memory_space<hbm>>
        %dma_wait3A_37 = tpu.memref_slice %arg7[%add3A_7] : memref<320000xf32, #tpu.memory_space<hbm>> -> memref<2560xf32, #tpu.memory_space<hbm>>
        tpu.wait_dma2 semaphore(%run_scoped3A : memref<!tpu.dma_semaphore, #tpu.memory_space<semaphore_mem>>) src(%dma_wait3A_37 : memref<2560xf32, #tpu.memory_space<hbm>>) dst(%arg14 : memref<2560xf32, #tpu.memory_space<vmem>>)
        tpu.yield
      }) : () -> ()
      %scan3A = arith.constant 0 : i32
      %scan3A_31 = arith.constant 0 : i32
      %scan3A_32 = arith.constant 160 : i32
      %scan3A_33 = arith.addi %scan3A_31, %scan3A_32 : i32
      %scan3A_34 = arith.constant 1 : i32
      scf.for %scan3A_36 = %scan3A_31 to %scan3A_33 step %scan3A_34  : i32 {
        %mul3A_37 = arith.constant 16 : i32
        %mul3A_38 = arith.muli %scan3A_36, %mul3A_37 : i32
        %get3A_39 = arith.constant 0 : i32
        %get3A_40 = arith.index_cast %get3A_39 : i32 to index
        %get3A_41 = arith.index_cast %mul3A_38 : i32 to index
        %get3A_42 = tpu.vector_load %arg12[%get3A_40, %get3A_41] {strides = array<i32>} : memref<2x2560xi32, #tpu.memory_space<vmem>>, vector<16xi32>,
        %gather3A = tpu.vector_load_idx %arg9[%get3A_42] : memref<10000xf32, #tpu.memory_space<vmem>>[vector<16xi32>], vector<16xf32>,
        %get3A_43 = arith.constant 1 : i32
        %get3A_44 = arith.index_cast %get3A_43 : i32 to index
        %get3A_45 = arith.index_cast %mul3A_38 : i32 to index
        %get3A_46 = tpu.vector_load %arg12[%get3A_44, %get3A_45] {strides = array<i32>} : memref<2x2560xi32, #tpu.memory_space<vmem>>, vector<16xi32>,
        %gather3A_47 = tpu.vector_load_idx %arg10[%get3A_46] : memref<10000xf32, #tpu.memory_space<vmem>>[vector<16xi32>], vector<16xf32>,
        %add3A_48 = arith.addf %gather3A, %gather3A_47 : vector<16xf32>
        %get3A_49 = arith.index_cast %mul3A_38 : i32 to index
        %get3A_50 = tpu.vector_load %arg13[%get3A_49] {strides = array<i32>} : memref<2560xi32, #tpu.memory_space<vmem>>, vector<16xi32>,
        %gather3A_51 = tpu.vector_load_idx %arg11[%get3A_50] : memref<48xf32, #tpu.memory_space<vmem>>[vector<16xi32>], vector<16xf32>,
        %add3A_52 = arith.addf %add3A_48, %gather3A_51 : vector<16xf32>
        %get3A_53 = arith.index_cast %mul3A_38 : i32 to index
        %get3A_54 = tpu.vector_load %arg14[%get3A_53] {strides = array<i32>} : memref<2560xf32, #tpu.memory_space<vmem>>, vector<16xf32>,
        %add3A_55 = arith.addf %add3A_52, %get3A_54 : vector<16xf32>
        %ge3A = arith.constant 0.000000e+00 : f32
        %ge3A_56 = vector.broadcast %ge3A : f32 to vector<16xf32>
        %ge3A_57 = arith.cmpf oge, %add3A_55, %ge3A_56 : vector<16xf32>
        %mul3A_58 = arith.constant 1.000000e-01 : f32
        %mul3A_59 = vector.broadcast %mul3A_58 : f32 to vector<16xf32>
        %mul3A_60 = arith.mulf %add3A_55, %mul3A_59 : vector<16xf32>
        %select_n3A = arith.select %ge3A_57, %add3A_55, %mul3A_60 : vector<16xi1>, vector<16xf32>
        %mul3A_61 = arith.mulf %select_n3A, %get3A_3 : vector<16xf32>
        %add3A_62 = arith.addf %mul3A_61, %get3A_5 : vector<16xf32>
        %swap3A = arith.index_cast %mul3A_38 : i32 to index
        %swap3A_63 = tpu.vector_load %arg15[%swap3A] {strides = array<i32>} : memref<2560xf32, #tpu.memory_space<vmem>>, vector<16xf32>,
        tpu.vector_store %arg15[%swap3A], %add3A_62 {strides = array<i32>} : memref<2560xf32, #tpu.memory_space<vmem>>, vector<16xf32>,
      }
      %scan3A_35 = arith.constant 160 : i32
      "tpu.region"() ({
        %run_scoped3A = tpu.sem_alloc : memref<!tpu.dma_semaphore, #tpu.memory_space<semaphore_mem>>
        %dma_start3A = tpu.memref_slice %arg8[%add3A_7] : memref<320000xf32, #tpu.memory_space<hbm>> -> memref<2560xf32, #tpu.memory_space<hbm>>
        %dma_start3A_36 = tpu.memref_slice %arg8[%add3A_7] : memref<320000xf32, #tpu.memory_space<hbm>> -> memref<2560xf32, #tpu.memory_space<hbm>>
        tpu.enqueue_dma source(%arg15 : memref<2560xf32, #tpu.memory_space<vmem>>) target(%dma_start3A_36 : memref<2560xf32, #tpu.memory_space<hbm>>) target_semaphore(%run_scoped3A : memref<!tpu.dma_semaphore, #tpu.memory_space<semaphore_mem>>)
        %dma_wait3A = tpu.memref_slice %arg8[%add3A_7] : memref<320000xf32, #tpu.memory_space<hbm>> -> memref<2560xf32, #tpu.memory_space<hbm>>
        %dma_wait3A_37 = tpu.memref_slice %arg8[%add3A_7] : memref<320000xf32, #tpu.memory_space<hbm>> -> memref<2560xf32, #tpu.memory_space<hbm>>
        tpu.wait_dma2 semaphore(%run_scoped3A : memref<!tpu.dma_semaphore, #tpu.memory_space<semaphore_mem>>) src(%arg15 : memref<2560xf32, #tpu.memory_space<vmem>>) dst(%dma_wait3A_37 : memref<2560xf32, #tpu.memory_space<hbm>>)
        tpu.yield
      }) : () -> ()
    } else {
    }
    %add3A_10 = arith.constant 2560 : i32
    %add3A_11 = arith.addi %mul3A_2, %add3A_10 : i32
    %lt3A_12 = arith.constant 320000 : i32
    %lt3A_13 = arith.cmpi slt, %add3A_11, %lt3A_12 : i32
    %convert_element_type3A_14 = arith.extui %lt3A_13 : i1 to i32
    %cond3A_15 = arith.constant 0 : i32
    %cond3A_16 = arith.cmpi ne, %convert_element_type3A_14, %cond3A_15 : i32
    scf.if %cond3A_16 {
      "tpu.region"() ({
        %run_scoped3A = tpu.sem_alloc : memref<!tpu.dma_semaphore, #tpu.memory_space<semaphore_mem>>
        %dma_start3A = arith.constant 0 : i32
        %dma_start3A_36 = tpu.memref_slice %arg5[%dma_start3A, %add3A_11] : memref<2x320000xi32, #tpu.memory_space<hbm>> -> memref<2x2560xi32, #tpu.memory_space<hbm>>
        %dma_start3A_37 = arith.constant 0 : i32
        %dma_start3A_38 = tpu.memref_slice %arg5[%dma_start3A_37, %add3A_11] : memref<2x320000xi32, #tpu.memory_space<hbm>> -> memref<2x2560xi32, #tpu.memory_space<hbm>>
        tpu.enqueue_dma source(%dma_start3A_38 : memref<2x2560xi32, #tpu.memory_space<hbm>>) target(%arg12 : memref<2x2560xi32, #tpu.memory_space<vmem>>) target_semaphore(%run_scoped3A : memref<!tpu.dma_semaphore, #tpu.memory_space<semaphore_mem>>)
        %dma_wait3A = arith.constant 0 : i32
        %dma_wait3A_39 = tpu.memref_slice %arg5[%dma_wait3A, %add3A_11] : memref<2x320000xi32, #tpu.memory_space<hbm>> -> memref<2x2560xi32, #tpu.memory_space<hbm>>
        %dma_wait3A_40 = arith.constant 0 : i32
        %dma_wait3A_41 = tpu.memref_slice %arg5[%dma_wait3A_40, %add3A_11] : memref<2x320000xi32, #tpu.memory_space<hbm>> -> memref<2x2560xi32, #tpu.memory_space<hbm>>
        tpu.wait_dma2 semaphore(%run_scoped3A : memref<!tpu.dma_semaphore, #tpu.memory_space<semaphore_mem>>) src(%dma_wait3A_41 : memref<2x2560xi32, #tpu.memory_space<hbm>>) dst(%arg12 : memref<2x2560xi32, #tpu.memory_space<vmem>>)
        tpu.yield
      }) : () -> ()
      "tpu.region"() ({
        %run_scoped3A = tpu.sem_alloc : memref<!tpu.dma_semaphore, #tpu.memory_space<semaphore_mem>>
        %dma_start3A = tpu.memref_slice %arg6[%add3A_11] : memref<320000xi32, #tpu.memory_space<hbm>> -> memref<2560xi32, #tpu.memory_space<hbm>>
        %dma_start3A_36 = tpu.memref_slice %arg6[%add3A_11] : memref<320000xi32, #tpu.memory_space<hbm>> -> memref<2560xi32, #tpu.memory_space<hbm>>
        tpu.enqueue_dma source(%dma_start3A_36 : memref<2560xi32, #tpu.memory_space<hbm>>) target(%arg13 : memref<2560xi32, #tpu.memory_space<vmem>>) target_semaphore(%run_scoped3A : memref<!tpu.dma_semaphore, #tpu.memory_space<semaphore_mem>>)
        %dma_wait3A = tpu.memref_slice %arg6[%add3A_11] : memref<320000xi32, #tpu.memory_space<hbm>> -> memref<2560xi32, #tpu.memory_space<hbm>>
        %dma_wait3A_37 = tpu.memref_slice %arg6[%add3A_11] : memref<320000xi32, #tpu.memory_space<hbm>> -> memref<2560xi32, #tpu.memory_space<hbm>>
        tpu.wait_dma2 semaphore(%run_scoped3A : memref<!tpu.dma_semaphore, #tpu.memory_space<semaphore_mem>>) src(%dma_wait3A_37 : memref<2560xi32, #tpu.memory_space<hbm>>) dst(%arg13 : memref<2560xi32, #tpu.memory_space<vmem>>)
        tpu.yield
      }) : () -> ()
      "tpu.region"() ({
        %run_scoped3A = tpu.sem_alloc : memref<!tpu.dma_semaphore, #tpu.memory_space<semaphore_mem>>
        %dma_start3A = tpu.memref_slice %arg7[%add3A_11] : memref<320000xf32, #tpu.memory_space<hbm>> -> memref<2560xf32, #tpu.memory_space<hbm>>
        %dma_start3A_36 = tpu.memref_slice %arg7[%add3A_11] : memref<320000xf32, #tpu.memory_space<hbm>> -> memref<2560xf32, #tpu.memory_space<hbm>>
        tpu.enqueue_dma source(%dma_start3A_36 : memref<2560xf32, #tpu.memory_space<hbm>>) target(%arg14 : memref<2560xf32, #tpu.memory_space<vmem>>) target_semaphore(%run_scoped3A : memref<!tpu.dma_semaphore, #tpu.memory_space<semaphore_mem>>)
        %dma_wait3A = tpu.memref_slice %arg7[%add3A_11] : memref<320000xf32, #tpu.memory_space<hbm>> -> memref<2560xf32, #tpu.memory_space<hbm>>
        %dma_wait3A_37 = tpu.memref_slice %arg7[%add3A_11] : memref<320000xf32, #tpu.memory_space<hbm>> -> memref<2560xf32, #tpu.memory_space<hbm>>
        tpu.wait_dma2 semaphore(%run_scoped3A : memref<!tpu.dma_semaphore, #tpu.memory_space<semaphore_mem>>) src(%dma_wait3A_37 : memref<2560xf32, #tpu.memory_space<hbm>>) dst(%arg14 : memref<2560xf32, #tpu.memory_space<vmem>>)
        tpu.yield
      }) : () -> ()
      %scan3A = arith.constant 0 : i32
      %scan3A_31 = arith.constant 0 : i32
      %scan3A_32 = arith.constant 160 : i32
      %scan3A_33 = arith.addi %scan3A_31, %scan3A_32 : i32
      %scan3A_34 = arith.constant 1 : i32
      scf.for %scan3A_36 = %scan3A_31 to %scan3A_33 step %scan3A_34  : i32 {
        %mul3A_37 = arith.constant 16 : i32
        %mul3A_38 = arith.muli %scan3A_36, %mul3A_37 : i32
        %get3A_39 = arith.constant 0 : i32
        %get3A_40 = arith.index_cast %get3A_39 : i32 to index
        %get3A_41 = arith.index_cast %mul3A_38 : i32 to index
        %get3A_42 = tpu.vector_load %arg12[%get3A_40, %get3A_41] {strides = array<i32>} : memref<2x2560xi32, #tpu.memory_space<vmem>>, vector<16xi32>,
        %gather3A = tpu.vector_load_idx %arg9[%get3A_42] : memref<10000xf32, #tpu.memory_space<vmem>>[vector<16xi32>], vector<16xf32>,
        %get3A_43 = arith.constant 1 : i32
        %get3A_44 = arith.index_cast %get3A_43 : i32 to index
        %get3A_45 = arith.index_cast %mul3A_38 : i32 to index
        %get3A_46 = tpu.vector_load %arg12[%get3A_44, %get3A_45] {strides = array<i32>} : memref<2x2560xi32, #tpu.memory_space<vmem>>, vector<16xi32>,
        %gather3A_47 = tpu.vector_load_idx %arg10[%get3A_46] : memref<10000xf32, #tpu.memory_space<vmem>>[vector<16xi32>], vector<16xf32>,
        %add3A_48 = arith.addf %gather3A, %gather3A_47 : vector<16xf32>
        %get3A_49 = arith.index_cast %mul3A_38 : i32 to index
        %get3A_50 = tpu.vector_load %arg13[%get3A_49] {strides = array<i32>} : memref<2560xi32, #tpu.memory_space<vmem>>, vector<16xi32>,
        %gather3A_51 = tpu.vector_load_idx %arg11[%get3A_50] : memref<48xf32, #tpu.memory_space<vmem>>[vector<16xi32>], vector<16xf32>,
        %add3A_52 = arith.addf %add3A_48, %gather3A_51 : vector<16xf32>
        %get3A_53 = arith.index_cast %mul3A_38 : i32 to index
        %get3A_54 = tpu.vector_load %arg14[%get3A_53] {strides = array<i32>} : memref<2560xf32, #tpu.memory_space<vmem>>, vector<16xf32>,
        %add3A_55 = arith.addf %add3A_52, %get3A_54 : vector<16xf32>
        %ge3A = arith.constant 0.000000e+00 : f32
        %ge3A_56 = vector.broadcast %ge3A : f32 to vector<16xf32>
        %ge3A_57 = arith.cmpf oge, %add3A_55, %ge3A_56 : vector<16xf32>
        %mul3A_58 = arith.constant 1.000000e-01 : f32
        %mul3A_59 = vector.broadcast %mul3A_58 : f32 to vector<16xf32>
        %mul3A_60 = arith.mulf %add3A_55, %mul3A_59 : vector<16xf32>
        %select_n3A = arith.select %ge3A_57, %add3A_55, %mul3A_60 : vector<16xi1>, vector<16xf32>
        %mul3A_61 = arith.mulf %select_n3A, %get3A_3 : vector<16xf32>
        %add3A_62 = arith.addf %mul3A_61, %get3A_5 : vector<16xf32>
        %swap3A = arith.index_cast %mul3A_38 : i32 to index
        %swap3A_63 = tpu.vector_load %arg15[%swap3A] {strides = array<i32>} : memref<2560xf32, #tpu.memory_space<vmem>>, vector<16xf32>,
        tpu.vector_store %arg15[%swap3A], %add3A_62 {strides = array<i32>} : memref<2560xf32, #tpu.memory_space<vmem>>, vector<16xf32>,
      }
      %scan3A_35 = arith.constant 160 : i32
      "tpu.region"() ({
        %run_scoped3A = tpu.sem_alloc : memref<!tpu.dma_semaphore, #tpu.memory_space<semaphore_mem>>
        %dma_start3A = tpu.memref_slice %arg8[%add3A_11] : memref<320000xf32, #tpu.memory_space<hbm>> -> memref<2560xf32, #tpu.memory_space<hbm>>
        %dma_start3A_36 = tpu.memref_slice %arg8[%add3A_11] : memref<320000xf32, #tpu.memory_space<hbm>> -> memref<2560xf32, #tpu.memory_space<hbm>>
        tpu.enqueue_dma source(%arg15 : memref<2560xf32, #tpu.memory_space<vmem>>) target(%dma_start3A_36 : memref<2560xf32, #tpu.memory_space<hbm>>) target_semaphore(%run_scoped3A : memref<!tpu.dma_semaphore, #tpu.memory_space<semaphore_mem>>)
        %dma_wait3A = tpu.memref_slice %arg8[%add3A_11] : memref<320000xf32, #tpu.memory_space<hbm>> -> memref<2560xf32, #tpu.memory_space<hbm>>
        %dma_wait3A_37 = tpu.memref_slice %arg8[%add3A_11] : memref<320000xf32, #tpu.memory_space<hbm>> -> memref<2560xf32, #tpu.memory_space<hbm>>
        tpu.wait_dma2 semaphore(%run_scoped3A : memref<!tpu.dma_semaphore, #tpu.memory_space<semaphore_mem>>) src(%arg15 : memref<2560xf32, #tpu.memory_space<vmem>>) dst(%dma_wait3A_37 : memref<2560xf32, #tpu.memory_space<hbm>>)
        tpu.yield
      }) : () -> ()
    } else {
    }
    %add3A_17 = arith.constant 5120 : i32
    %add3A_18 = arith.addi %mul3A_2, %add3A_17 : i32
    %lt3A_19 = arith.constant 320000 : i32
    %lt3A_20 = arith.cmpi slt, %add3A_18, %lt3A_19 : i32
    %convert_element_type3A_21 = arith.extui %lt3A_20 : i1 to i32
    %cond3A_22 = arith.constant 0 : i32
    %cond3A_23 = arith.cmpi ne, %convert_element_type3A_21, %cond3A_22 : i32
    scf.if %cond3A_23 {
      "tpu.region"() ({
        %run_scoped3A = tpu.sem_alloc : memref<!tpu.dma_semaphore, #tpu.memory_space<semaphore_mem>>
        %dma_start3A = arith.constant 0 : i32
        %dma_start3A_36 = tpu.memref_slice %arg5[%dma_start3A, %add3A_18] : memref<2x320000xi32, #tpu.memory_space<hbm>> -> memref<2x2560xi32, #tpu.memory_space<hbm>>
        %dma_start3A_37 = arith.constant 0 : i32
        %dma_start3A_38 = tpu.memref_slice %arg5[%dma_start3A_37, %add3A_18] : memref<2x320000xi32, #tpu.memory_space<hbm>> -> memref<2x2560xi32, #tpu.memory_space<hbm>>
        tpu.enqueue_dma source(%dma_start3A_38 : memref<2x2560xi32, #tpu.memory_space<hbm>>) target(%arg12 : memref<2x2560xi32, #tpu.memory_space<vmem>>) target_semaphore(%run_scoped3A : memref<!tpu.dma_semaphore, #tpu.memory_space<semaphore_mem>>)
        %dma_wait3A = arith.constant 0 : i32
        %dma_wait3A_39 = tpu.memref_slice %arg5[%dma_wait3A, %add3A_18] : memref<2x320000xi32, #tpu.memory_space<hbm>> -> memref<2x2560xi32, #tpu.memory_space<hbm>>
        %dma_wait3A_40 = arith.constant 0 : i32
        %dma_wait3A_41 = tpu.memref_slice %arg5[%dma_wait3A_40, %add3A_18] : memref<2x320000xi32, #tpu.memory_space<hbm>> -> memref<2x2560xi32, #tpu.memory_space<hbm>>
        tpu.wait_dma2 semaphore(%run_scoped3A : memref<!tpu.dma_semaphore, #tpu.memory_space<semaphore_mem>>) src(%dma_wait3A_41 : memref<2x2560xi32, #tpu.memory_space<hbm>>) dst(%arg12 : memref<2x2560xi32, #tpu.memory_space<vmem>>)
        tpu.yield
      }) : () -> ()
      "tpu.region"() ({
        %run_scoped3A = tpu.sem_alloc : memref<!tpu.dma_semaphore, #tpu.memory_space<semaphore_mem>>
        %dma_start3A = tpu.memref_slice %arg6[%add3A_18] : memref<320000xi32, #tpu.memory_space<hbm>> -> memref<2560xi32, #tpu.memory_space<hbm>>
        %dma_start3A_36 = tpu.memref_slice %arg6[%add3A_18] : memref<320000xi32, #tpu.memory_space<hbm>> -> memref<2560xi32, #tpu.memory_space<hbm>>
        tpu.enqueue_dma source(%dma_start3A_36 : memref<2560xi32, #tpu.memory_space<hbm>>) target(%arg13 : memref<2560xi32, #tpu.memory_space<vmem>>) target_semaphore(%run_scoped3A : memref<!tpu.dma_semaphore, #tpu.memory_space<semaphore_mem>>)
        %dma_wait3A = tpu.memref_slice %arg6[%add3A_18] : memref<320000xi32, #tpu.memory_space<hbm>> -> memref<2560xi32, #tpu.memory_space<hbm>>
        %dma_wait3A_37 = tpu.memref_slice %arg6[%add3A_18] : memref<320000xi32, #tpu.memory_space<hbm>> -> memref<2560xi32, #tpu.memory_space<hbm>>
        tpu.wait_dma2 semaphore(%run_scoped3A : memref<!tpu.dma_semaphore, #tpu.memory_space<semaphore_mem>>) src(%dma_wait3A_37 : memref<2560xi32, #tpu.memory_space<hbm>>) dst(%arg13 : memref<2560xi32, #tpu.memory_space<vmem>>)
        tpu.yield
      }) : () -> ()
      "tpu.region"() ({
        %run_scoped3A = tpu.sem_alloc : memref<!tpu.dma_semaphore, #tpu.memory_space<semaphore_mem>>
        %dma_start3A = tpu.memref_slice %arg7[%add3A_18] : memref<320000xf32, #tpu.memory_space<hbm>> -> memref<2560xf32, #tpu.memory_space<hbm>>
        %dma_start3A_36 = tpu.memref_slice %arg7[%add3A_18] : memref<320000xf32, #tpu.memory_space<hbm>> -> memref<2560xf32, #tpu.memory_space<hbm>>
        tpu.enqueue_dma source(%dma_start3A_36 : memref<2560xf32, #tpu.memory_space<hbm>>) target(%arg14 : memref<2560xf32, #tpu.memory_space<vmem>>) target_semaphore(%run_scoped3A : memref<!tpu.dma_semaphore, #tpu.memory_space<semaphore_mem>>)
        %dma_wait3A = tpu.memref_slice %arg7[%add3A_18] : memref<320000xf32, #tpu.memory_space<hbm>> -> memref<2560xf32, #tpu.memory_space<hbm>>
        %dma_wait3A_37 = tpu.memref_slice %arg7[%add3A_18] : memref<320000xf32, #tpu.memory_space<hbm>> -> memref<2560xf32, #tpu.memory_space<hbm>>
        tpu.wait_dma2 semaphore(%run_scoped3A : memref<!tpu.dma_semaphore, #tpu.memory_space<semaphore_mem>>) src(%dma_wait3A_37 : memref<2560xf32, #tpu.memory_space<hbm>>) dst(%arg14 : memref<2560xf32, #tpu.memory_space<vmem>>)
        tpu.yield
      }) : () -> ()
      %scan3A = arith.constant 0 : i32
      %scan3A_31 = arith.constant 0 : i32
      %scan3A_32 = arith.constant 160 : i32
      %scan3A_33 = arith.addi %scan3A_31, %scan3A_32 : i32
      %scan3A_34 = arith.constant 1 : i32
      scf.for %scan3A_36 = %scan3A_31 to %scan3A_33 step %scan3A_34  : i32 {
        %mul3A_37 = arith.constant 16 : i32
        %mul3A_38 = arith.muli %scan3A_36, %mul3A_37 : i32
        %get3A_39 = arith.constant 0 : i32
        %get3A_40 = arith.index_cast %get3A_39 : i32 to index
        %get3A_41 = arith.index_cast %mul3A_38 : i32 to index
        %get3A_42 = tpu.vector_load %arg12[%get3A_40, %get3A_41] {strides = array<i32>} : memref<2x2560xi32, #tpu.memory_space<vmem>>, vector<16xi32>,
        %gather3A = tpu.vector_load_idx %arg9[%get3A_42] : memref<10000xf32, #tpu.memory_space<vmem>>[vector<16xi32>], vector<16xf32>,
        %get3A_43 = arith.constant 1 : i32
        %get3A_44 = arith.index_cast %get3A_43 : i32 to index
        %get3A_45 = arith.index_cast %mul3A_38 : i32 to index
        %get3A_46 = tpu.vector_load %arg12[%get3A_44, %get3A_45] {strides = array<i32>} : memref<2x2560xi32, #tpu.memory_space<vmem>>, vector<16xi32>,
        %gather3A_47 = tpu.vector_load_idx %arg10[%get3A_46] : memref<10000xf32, #tpu.memory_space<vmem>>[vector<16xi32>], vector<16xf32>,
        %add3A_48 = arith.addf %gather3A, %gather3A_47 : vector<16xf32>
        %get3A_49 = arith.index_cast %mul3A_38 : i32 to index
        %get3A_50 = tpu.vector_load %arg13[%get3A_49] {strides = array<i32>} : memref<2560xi32, #tpu.memory_space<vmem>>, vector<16xi32>,
        %gather3A_51 = tpu.vector_load_idx %arg11[%get3A_50] : memref<48xf32, #tpu.memory_space<vmem>>[vector<16xi32>], vector<16xf32>,
        %add3A_52 = arith.addf %add3A_48, %gather3A_51 : vector<16xf32>
        %get3A_53 = arith.index_cast %mul3A_38 : i32 to index
        %get3A_54 = tpu.vector_load %arg14[%get3A_53] {strides = array<i32>} : memref<2560xf32, #tpu.memory_space<vmem>>, vector<16xf32>,
        %add3A_55 = arith.addf %add3A_52, %get3A_54 : vector<16xf32>
        %ge3A = arith.constant 0.000000e+00 : f32
        %ge3A_56 = vector.broadcast %ge3A : f32 to vector<16xf32>
        %ge3A_57 = arith.cmpf oge, %add3A_55, %ge3A_56 : vector<16xf32>
        %mul3A_58 = arith.constant 1.000000e-01 : f32
        %mul3A_59 = vector.broadcast %mul3A_58 : f32 to vector<16xf32>
        %mul3A_60 = arith.mulf %add3A_55, %mul3A_59 : vector<16xf32>
        %select_n3A = arith.select %ge3A_57, %add3A_55, %mul3A_60 : vector<16xi1>, vector<16xf32>
        %mul3A_61 = arith.mulf %select_n3A, %get3A_3 : vector<16xf32>
        %add3A_62 = arith.addf %mul3A_61, %get3A_5 : vector<16xf32>
        %swap3A = arith.index_cast %mul3A_38 : i32 to index
        %swap3A_63 = tpu.vector_load %arg15[%swap3A] {strides = array<i32>} : memref<2560xf32, #tpu.memory_space<vmem>>, vector<16xf32>,
        tpu.vector_store %arg15[%swap3A], %add3A_62 {strides = array<i32>} : memref<2560xf32, #tpu.memory_space<vmem>>, vector<16xf32>,
      }
      %scan3A_35 = arith.constant 160 : i32
      "tpu.region"() ({
        %run_scoped3A = tpu.sem_alloc : memref<!tpu.dma_semaphore, #tpu.memory_space<semaphore_mem>>
        %dma_start3A = tpu.memref_slice %arg8[%add3A_18] : memref<320000xf32, #tpu.memory_space<hbm>> -> memref<2560xf32, #tpu.memory_space<hbm>>
        %dma_start3A_36 = tpu.memref_slice %arg8[%add3A_18] : memref<320000xf32, #tpu.memory_space<hbm>> -> memref<2560xf32, #tpu.memory_space<hbm>>
        tpu.enqueue_dma source(%arg15 : memref<2560xf32, #tpu.memory_space<vmem>>) target(%dma_start3A_36 : memref<2560xf32, #tpu.memory_space<hbm>>) target_semaphore(%run_scoped3A : memref<!tpu.dma_semaphore, #tpu.memory_space<semaphore_mem>>)
        %dma_wait3A = tpu.memref_slice %arg8[%add3A_18] : memref<320000xf32, #tpu.memory_space<hbm>> -> memref<2560xf32, #tpu.memory_space<hbm>>
        %dma_wait3A_37 = tpu.memref_slice %arg8[%add3A_18] : memref<320000xf32, #tpu.memory_space<hbm>> -> memref<2560xf32, #tpu.memory_space<hbm>>
        tpu.wait_dma2 semaphore(%run_scoped3A : memref<!tpu.dma_semaphore, #tpu.memory_space<semaphore_mem>>) src(%arg15 : memref<2560xf32, #tpu.memory_space<vmem>>) dst(%dma_wait3A_37 : memref<2560xf32, #tpu.memory_space<hbm>>)
        tpu.yield
      }) : () -> ()
    } else {
    }
    %add3A_24 = arith.constant 7680 : i32
    %add3A_25 = arith.addi %mul3A_2, %add3A_24 : i32
    %lt3A_26 = arith.constant 320000 : i32
    %lt3A_27 = arith.cmpi slt, %add3A_25, %lt3A_26 : i32
    %convert_element_type3A_28 = arith.extui %lt3A_27 : i1 to i32
    %cond3A_29 = arith.constant 0 : i32
    %cond3A_30 = arith.cmpi ne, %convert_element_type3A_28, %cond3A_29 : i32
    scf.if %cond3A_30 {
      "tpu.region"() ({
        %run_scoped3A = tpu.sem_alloc : memref<!tpu.dma_semaphore, #tpu.memory_space<semaphore_mem>>
        %dma_start3A = arith.constant 0 : i32
        %dma_start3A_36 = tpu.memref_slice %arg5[%dma_start3A, %add3A_25] : memref<2x320000xi32, #tpu.memory_space<hbm>> -> memref<2x2560xi32, #tpu.memory_space<hbm>>
        %dma_start3A_37 = arith.constant 0 : i32
        %dma_start3A_38 = tpu.memref_slice %arg5[%dma_start3A_37, %add3A_25] : memref<2x320000xi32, #tpu.memory_space<hbm>> -> memref<2x2560xi32, #tpu.memory_space<hbm>>
        tpu.enqueue_dma source(%dma_start3A_38 : memref<2x2560xi32, #tpu.memory_space<hbm>>) target(%arg12 : memref<2x2560xi32, #tpu.memory_space<vmem>>) target_semaphore(%run_scoped3A : memref<!tpu.dma_semaphore, #tpu.memory_space<semaphore_mem>>)
        %dma_wait3A = arith.constant 0 : i32
        %dma_wait3A_39 = tpu.memref_slice %arg5[%dma_wait3A, %add3A_25] : memref<2x320000xi32, #tpu.memory_space<hbm>> -> memref<2x2560xi32, #tpu.memory_space<hbm>>
        %dma_wait3A_40 = arith.constant 0 : i32
        %dma_wait3A_41 = tpu.memref_slice %arg5[%dma_wait3A_40, %add3A_25] : memref<2x320000xi32, #tpu.memory_space<hbm>> -> memref<2x2560xi32, #tpu.memory_space<hbm>>
        tpu.wait_dma2 semaphore(%run_scoped3A : memref<!tpu.dma_semaphore, #tpu.memory_space<semaphore_mem>>) src(%dma_wait3A_41 : memref<2x2560xi32, #tpu.memory_space<hbm>>) dst(%arg12 : memref<2x2560xi32, #tpu.memory_space<vmem>>)
        tpu.yield
      }) : () -> ()
      "tpu.region"() ({
        %run_scoped3A = tpu.sem_alloc : memref<!tpu.dma_semaphore, #tpu.memory_space<semaphore_mem>>
        %dma_start3A = tpu.memref_slice %arg6[%add3A_25] : memref<320000xi32, #tpu.memory_space<hbm>> -> memref<2560xi32, #tpu.memory_space<hbm>>
        %dma_start3A_36 = tpu.memref_slice %arg6[%add3A_25] : memref<320000xi32, #tpu.memory_space<hbm>> -> memref<2560xi32, #tpu.memory_space<hbm>>
        tpu.enqueue_dma source(%dma_start3A_36 : memref<2560xi32, #tpu.memory_space<hbm>>) target(%arg13 : memref<2560xi32, #tpu.memory_space<vmem>>) target_semaphore(%run_scoped3A : memref<!tpu.dma_semaphore, #tpu.memory_space<semaphore_mem>>)
        %dma_wait3A = tpu.memref_slice %arg6[%add3A_25] : memref<320000xi32, #tpu.memory_space<hbm>> -> memref<2560xi32, #tpu.memory_space<hbm>>
        %dma_wait3A_37 = tpu.memref_slice %arg6[%add3A_25] : memref<320000xi32, #tpu.memory_space<hbm>> -> memref<2560xi32, #tpu.memory_space<hbm>>
        tpu.wait_dma2 semaphore(%run_scoped3A : memref<!tpu.dma_semaphore, #tpu.memory_space<semaphore_mem>>) src(%dma_wait3A_37 : memref<2560xi32, #tpu.memory_space<hbm>>) dst(%arg13 : memref<2560xi32, #tpu.memory_space<vmem>>)
        tpu.yield
      }) : () -> ()
      "tpu.region"() ({
        %run_scoped3A = tpu.sem_alloc : memref<!tpu.dma_semaphore, #tpu.memory_space<semaphore_mem>>
        %dma_start3A = tpu.memref_slice %arg7[%add3A_25] : memref<320000xf32, #tpu.memory_space<hbm>> -> memref<2560xf32, #tpu.memory_space<hbm>>
        %dma_start3A_36 = tpu.memref_slice %arg7[%add3A_25] : memref<320000xf32, #tpu.memory_space<hbm>> -> memref<2560xf32, #tpu.memory_space<hbm>>
        tpu.enqueue_dma source(%dma_start3A_36 : memref<2560xf32, #tpu.memory_space<hbm>>) target(%arg14 : memref<2560xf32, #tpu.memory_space<vmem>>) target_semaphore(%run_scoped3A : memref<!tpu.dma_semaphore, #tpu.memory_space<semaphore_mem>>)
        %dma_wait3A = tpu.memref_slice %arg7[%add3A_25] : memref<320000xf32, #tpu.memory_space<hbm>> -> memref<2560xf32, #tpu.memory_space<hbm>>
        %dma_wait3A_37 = tpu.memref_slice %arg7[%add3A_25] : memref<320000xf32, #tpu.memory_space<hbm>> -> memref<2560xf32, #tpu.memory_space<hbm>>
        tpu.wait_dma2 semaphore(%run_scoped3A : memref<!tpu.dma_semaphore, #tpu.memory_space<semaphore_mem>>) src(%dma_wait3A_37 : memref<2560xf32, #tpu.memory_space<hbm>>) dst(%arg14 : memref<2560xf32, #tpu.memory_space<vmem>>)
        tpu.yield
      }) : () -> ()
      %scan3A = arith.constant 0 : i32
      %scan3A_31 = arith.constant 0 : i32
      %scan3A_32 = arith.constant 160 : i32
      %scan3A_33 = arith.addi %scan3A_31, %scan3A_32 : i32
      %scan3A_34 = arith.constant 1 : i32
      scf.for %scan3A_36 = %scan3A_31 to %scan3A_33 step %scan3A_34  : i32 {
        %mul3A_37 = arith.constant 16 : i32
        %mul3A_38 = arith.muli %scan3A_36, %mul3A_37 : i32
        %get3A_39 = arith.constant 0 : i32
        %get3A_40 = arith.index_cast %get3A_39 : i32 to index
        %get3A_41 = arith.index_cast %mul3A_38 : i32 to index
        %get3A_42 = tpu.vector_load %arg12[%get3A_40, %get3A_41] {strides = array<i32>} : memref<2x2560xi32, #tpu.memory_space<vmem>>, vector<16xi32>,
        %gather3A = tpu.vector_load_idx %arg9[%get3A_42] : memref<10000xf32, #tpu.memory_space<vmem>>[vector<16xi32>], vector<16xf32>,
        %get3A_43 = arith.constant 1 : i32
        %get3A_44 = arith.index_cast %get3A_43 : i32 to index
        %get3A_45 = arith.index_cast %mul3A_38 : i32 to index
        %get3A_46 = tpu.vector_load %arg12[%get3A_44, %get3A_45] {strides = array<i32>} : memref<2x2560xi32, #tpu.memory_space<vmem>>, vector<16xi32>,
        %gather3A_47 = tpu.vector_load_idx %arg10[%get3A_46] : memref<10000xf32, #tpu.memory_space<vmem>>[vector<16xi32>], vector<16xf32>,
        %add3A_48 = arith.addf %gather3A, %gather3A_47 : vector<16xf32>
        %get3A_49 = arith.index_cast %mul3A_38 : i32 to index
        %get3A_50 = tpu.vector_load %arg13[%get3A_49] {strides = array<i32>} : memref<2560xi32, #tpu.memory_space<vmem>>, vector<16xi32>,
        %gather3A_51 = tpu.vector_load_idx %arg11[%get3A_50] : memref<48xf32, #tpu.memory_space<vmem>>[vector<16xi32>], vector<16xf32>,
        %add3A_52 = arith.addf %add3A_48, %gather3A_51 : vector<16xf32>
        %get3A_53 = arith.index_cast %mul3A_38 : i32 to index
        %get3A_54 = tpu.vector_load %arg14[%get3A_53] {strides = array<i32>} : memref<2560xf32, #tpu.memory_space<vmem>>, vector<16xf32>,
        %add3A_55 = arith.addf %add3A_52, %get3A_54 : vector<16xf32>
        %ge3A = arith.constant 0.000000e+00 : f32
        %ge3A_56 = vector.broadcast %ge3A : f32 to vector<16xf32>
        %ge3A_57 = arith.cmpf oge, %add3A_55, %ge3A_56 : vector<16xf32>
        %mul3A_58 = arith.constant 1.000000e-01 : f32
        %mul3A_59 = vector.broadcast %mul3A_58 : f32 to vector<16xf32>
        %mul3A_60 = arith.mulf %add3A_55, %mul3A_59 : vector<16xf32>
        %select_n3A = arith.select %ge3A_57, %add3A_55, %mul3A_60 : vector<16xi1>, vector<16xf32>
        %mul3A_61 = arith.mulf %select_n3A, %get3A_3 : vector<16xf32>
        %add3A_62 = arith.addf %mul3A_61, %get3A_5 : vector<16xf32>
        %swap3A = arith.index_cast %mul3A_38 : i32 to index
        %swap3A_63 = tpu.vector_load %arg15[%swap3A] {strides = array<i32>} : memref<2560xf32, #tpu.memory_space<vmem>>, vector<16xf32>,
        tpu.vector_store %arg15[%swap3A], %add3A_62 {strides = array<i32>} : memref<2560xf32, #tpu.memory_space<vmem>>, vector<16xf32>,
      }
      %scan3A_35 = arith.constant 160 : i32
      "tpu.region"() ({
        %run_scoped3A = tpu.sem_alloc : memref<!tpu.dma_semaphore, #tpu.memory_space<semaphore_mem>>
        %dma_start3A = tpu.memref_slice %arg8[%add3A_25] : memref<320000xf32, #tpu.memory_space<hbm>> -> memref<2560xf32, #tpu.memory_space<hbm>>
        %dma_start3A_36 = tpu.memref_slice %arg8[%add3A_25] : memref<320000xf32, #tpu.memory_space<hbm>> -> memref<2560xf32, #tpu.memory_space<hbm>>
        tpu.enqueue_dma source(%arg15 : memref<2560xf32, #tpu.memory_space<vmem>>) target(%dma_start3A_36 : memref<2560xf32, #tpu.memory_space<hbm>>) target_semaphore(%run_scoped3A : memref<!tpu.dma_semaphore, #tpu.memory_space<semaphore_mem>>)
        %dma_wait3A = tpu.memref_slice %arg8[%add3A_25] : memref<320000xf32, #tpu.memory_space<hbm>> -> memref<2560xf32, #tpu.memory_space<hbm>>
        %dma_wait3A_37 = tpu.memref_slice %arg8[%add3A_25] : memref<320000xf32, #tpu.memory_space<hbm>> -> memref<2560xf32, #tpu.memory_space<hbm>>
        tpu.wait_dma2 semaphore(%run_scoped3A : memref<!tpu.dma_semaphore, #tpu.memory_space<semaphore_mem>>) src(%arg15 : memref<2560xf32, #tpu.memory_space<vmem>>) dst(%dma_wait3A_37 : memref<2560xf32, #tpu.memory_space<hbm>>)
        tpu.yield
      }) : () -> ()
    } else {
    }
    return
  }
}

module attributes {stable_mosaic.version = 14 : i64} {
  func.func @_edge_proj_body(%arg0: memref<16x320000xf32, #tpu.memory_space<vmem>>, %arg1: memref<288xf32, #tpu.memory_space<vmem>>, %arg2: memref<320000xf32, #tpu.memory_space<vmem>>) attributes {dimension_semantics = [], scalar_prefetch = 0 : i64, scratch_operands = 0 : i64, tpu.core_type = #tpu.core_type<tc>} {
    %get3A = arith.constant 256 : index
    %get3A_0 = vector.load %arg1[%get3A] : memref<288xf32, #tpu.memory_space<vmem>>, vector<16xf32>
    %reshape3A = vector.shape_cast %get3A_0 : vector<16xf32> to vector<1x16xf32>
    %get3A_1 = arith.constant 0 : index
    %get3A_2 = arith.constant 0 : index
    %get3A_3 = vector.load %arg0[%get3A_1, %get3A_2] : memref<16x320000xf32, #tpu.memory_space<vmem>>, vector<16x320000xf32>
    %dot_general3A = arith.constant dense<0.000000e+00> : vector<1x320000xf32>
    %dot_general3A_4 = tpu.matmul %reshape3A, %get3A_3, %dot_general3A {dimension_numbers = #tpu.dot_dimension_numbers<[1], [0], [0], [1], [0, 0, 1, 1], [], []>, transpose_lhs_hint = false} : vector<1x16xf32>, vector<16x320000xf32>, vector<1x320000xf32> -> vector<1x320000xf32>
    %reshape3A_5 = vector.shape_cast %dot_general3A_4 : vector<1x320000xf32> to vector<320000xf32>
    %swap3A = arith.constant 0 : index
    %swap3A_6 = vector.load %arg2[%swap3A] : memref<320000xf32, #tpu.memory_space<vmem>>, vector<320000xf32>
    tpu.vector_store %arg2[%swap3A], %reshape3A_5 {strides = array<i32>} : memref<320000xf32, #tpu.memory_space<vmem>>, vector<320000xf32>,
    return
  }
}

module attributes {stable_mosaic.version = 14 : i64} {
  func.func @_node_proj_body(%arg0: memref<10000x128xf32, #tpu.memory_space<vmem>>, %arg1: memref<10000x128xf32, #tpu.memory_space<vmem>>, %arg2: memref<16x16xf32, #tpu.memory_space<vmem>>, %arg3: memref<288xf32, #tpu.memory_space<vmem>>, %arg4: memref<1x1xf32, #tpu.memory_space<vmem>>, %arg5: memref<1x1xf32, #tpu.memory_space<vmem>>, %arg6: memref<1x1xf32, #tpu.memory_space<vmem>>, %arg7: memref<10000xf32, #tpu.memory_space<vmem>>, %arg8: memref<10000xf32, #tpu.memory_space<vmem>>, %arg9: memref<48xf32, #tpu.memory_space<vmem>>) attributes {dimension_semantics = [], scalar_prefetch = 0 : i64, scratch_operands = 0 : i64, tpu.core_type = #tpu.core_type<tc>} {
    %get3A = arith.constant 0 : index
    %get3A_0 = vector.load %arg3[%get3A] : memref<288xf32, #tpu.memory_space<vmem>>, vector<128xf32>
    %reshape3A = vector.shape_cast %get3A_0 : vector<128xf32> to vector<1x128xf32>
    %get3A_1 = arith.constant 128 : index
    %get3A_2 = vector.load %arg3[%get3A_1] : memref<288xf32, #tpu.memory_space<vmem>>, vector<128xf32>
    %reshape3A_3 = vector.shape_cast %get3A_2 : vector<128xf32> to vector<1x128xf32>
    %get3A_4 = arith.constant 272 : index
    %get3A_5 = vector.load %arg3[%get3A_4] : memref<288xf32, #tpu.memory_space<vmem>>, vector<16xf32>
    %reshape3A_6 = vector.shape_cast %get3A_5 : vector<16xf32> to vector<1x16xf32>
    %get3A_7 = arith.constant 0 : index
    %get3A_8 = arith.constant 0 : index
    %get3A_9 = vector.load %arg0[%get3A_7, %get3A_8] : memref<10000x128xf32, #tpu.memory_space<vmem>>, vector<10000x128xf32>
    %dot_general3A = arith.constant dense<0.000000e+00> : vector<1x10000xf32>
    %dot_general3A_10 = tpu.matmul %reshape3A, %get3A_9, %dot_general3A {dimension_numbers = #tpu.dot_dimension_numbers<[1], [1], [0], [0], [0, 0, 1, 0], [], []>, transpose_lhs_hint = false} : vector<1x128xf32>, vector<10000x128xf32>, vector<1x10000xf32> -> vector<1x10000xf32>
    %reshape3A_11 = vector.shape_cast %dot_general3A_10 : vector<1x10000xf32> to vector<10000xf32>
    %swap3A = arith.constant 0 : index
    %swap3A_12 = vector.load %arg7[%swap3A] : memref<10000xf32, #tpu.memory_space<vmem>>, vector<10000xf32>
    tpu.vector_store %arg7[%swap3A], %reshape3A_11 {strides = array<i32>} : memref<10000xf32, #tpu.memory_space<vmem>>, vector<10000xf32>,
    %get3A_13 = arith.constant 0 : index
    %get3A_14 = arith.constant 0 : index
    %get3A_15 = vector.load %arg1[%get3A_13, %get3A_14] : memref<10000x128xf32, #tpu.memory_space<vmem>>, vector<10000x128xf32>
    %dot_general3A_16 = arith.constant dense<0.000000e+00> : vector<1x10000xf32>
    %dot_general3A_17 = tpu.matmul %reshape3A_3, %get3A_15, %dot_general3A_16 {dimension_numbers = #tpu.dot_dimension_numbers<[1], [1], [0], [0], [0, 0, 1, 0], [], []>, transpose_lhs_hint = false} : vector<1x128xf32>, vector<10000x128xf32>, vector<1x10000xf32> -> vector<1x10000xf32>
    %reshape3A_18 = vector.shape_cast %dot_general3A_17 : vector<1x10000xf32> to vector<10000xf32>
    %swap3A_19 = arith.constant 0 : index
    %swap3A_20 = vector.load %arg8[%swap3A_19] : memref<10000xf32, #tpu.memory_space<vmem>>, vector<10000xf32>
    tpu.vector_store %arg8[%swap3A_19], %reshape3A_18 {strides = array<i32>} : memref<10000xf32, #tpu.memory_space<vmem>>, vector<10000xf32>,
    %get3A_21 = arith.constant 0 : index
    %get3A_22 = arith.constant 0 : index
    %get3A_23 = vector.load %arg2[%get3A_21, %get3A_22] : memref<16x16xf32, #tpu.memory_space<vmem>>, vector<16x16xf32>
    %dot_general3A_24 = arith.constant dense<0.000000e+00> : vector<1x16xf32>
    %dot_general3A_25 = tpu.matmul %reshape3A_6, %get3A_23, %dot_general3A_24 {dimension_numbers = #tpu.dot_dimension_numbers<[1], [1], [0], [0], [0, 0, 1, 0], [], []>, transpose_lhs_hint = false} : vector<1x16xf32>, vector<16x16xf32>, vector<1x16xf32> -> vector<1x16xf32>
    %get3A_26 = arith.constant 0 : index
    %get3A_27 = arith.constant 0 : index
    %get3A_28 = vector.load %arg4[%get3A_26, %get3A_27] : memref<1x1xf32, #tpu.memory_space<vmem>>, vector<1x1xf32>
    %add3A = vector.broadcast %get3A_28 : vector<1x1xf32> to vector<1x16xf32>
    %add3A_29 = arith.addf %dot_general3A_25, %add3A : vector<1x16xf32>
    %broadcast_in_dim3A = arith.constant 1.000000e+00 : f32
    %broadcast_in_dim3A_30 = vector.broadcast %broadcast_in_dim3A : f32 to vector<1x16xf32>
    %get3A_31 = arith.constant 0 : index
    %get3A_32 = arith.constant 0 : index
    %get3A_33 = vector.load %arg5[%get3A_31, %get3A_32] : memref<1x1xf32, #tpu.memory_space<vmem>>, vector<1x1xf32>
    %mul3A = vector.broadcast %get3A_33 : vector<1x1xf32> to vector<1x16xf32>
    %mul3A_34 = arith.mulf %mul3A, %broadcast_in_dim3A_30 : vector<1x16xf32>
    %get3A_35 = arith.constant 0 : index
    %get3A_36 = arith.constant 0 : index
    %get3A_37 = vector.load %arg6[%get3A_35, %get3A_36] : memref<1x1xf32, #tpu.memory_space<vmem>>, vector<1x1xf32>
    %mul3A_38 = vector.broadcast %get3A_37 : vector<1x1xf32> to vector<1x16xf32>
    %mul3A_39 = arith.mulf %mul3A_38, %broadcast_in_dim3A_30 : vector<1x16xf32>
    %concatenate3A = tpu.concatenate %add3A_29, %mul3A_34, %mul3A_39 in 1 : vector<1x16xf32>, vector<1x16xf32>, vector<1x16xf32> -> vector<1x48xf32>
    %reshape3A_40 = vector.shape_cast %concatenate3A : vector<1x48xf32> to vector<48xf32>
    %swap3A_41 = arith.constant 0 : index
    %swap3A_42 = vector.load %arg9[%swap3A_41] : memref<48xf32, #tpu.memory_space<vmem>>, vector<48xf32>
    tpu.vector_store %arg9[%swap3A_41], %reshape3A_40 {strides = array<i32>} : memref<48xf32, #tpu.memory_space<vmem>>, vector<48xf32>,
    return
  }
}

</mosaic_0001>

<sc_bundles>
// kernel: kernel.5.cloned.1.call-start
scs
__scs_entry_jumppad:
0x0: {  	(pc) =	sbr.rel $0x88, $3  }
0x1: {  	(tag) =	ssettag $0x0;
	lr =	simm.s32 $0x1  }
0x2: {  	[smem:$0x3F97] =	sst lr;
	_ =	strace $0xD0000000  }
0x3: {  	_ = 	snop  }
0x4: {  	_ = 	snop  }
0x5: {  	_ = 	snop  }
0x6: {  	_ = 	snop  }
0x7: {  	_ = 	snop  }
__scs_overlays_trampoline_lowered:
0x8: {  	[smem:$0x3FA6] =	sst s0  }
0x9: {  	[smem:$0x3FA7] =	sst s1  }
0xa: {  	[smem:$0x3FA8] =	sst s2  }
0xb: {  	[smem:$0x3FA9] =	sst s3  }
0xc: {  	[smem:$0x3FAA] =	sst s4  }
0xd: {  	[smem:$0x3FAB] =	sst s5  }
0xe: {  	[smem:$0x3FAC] =	sst s6  }
0xf: {  	[smem:$0x3FAD] =	sst s7  }
0x10: {  	[smem:$0x3FAE] =	sst s8  }
0x11: {  	[smem:$0x3FAF] =	sst s9;
	s0 =	simm.s32 @!p0 $0x0  }
0x12: {  	s1 =	sld [smem:$0x3F95];
	s0 =	simm.s32 @p0 $0x1  }
0x13: {  	[smem:$0x3FB0] =	sst s0;
	s0 =	simm.s32 @!p1 $0x0  }
0x14: {  	s2 =	sld [smem:$0x3F94];
	s0 =	simm.s32 @p1 $0x1  }
0x15: {  	[smem:$0x3FB1] =	sst s0;
	s0 =	simm.s32 @!p2 $0x0  }
0x16: {  	s3 =	sld [smem:$0x3FDB];
	s0 =	simm.s32 @p2 $0x1  }
0x17: {  	s4 =	simm.s32 $0x1BF5;
	[smem:$0x3FB3] =	sst s0  }
0x18: {  	s0 =	sld [smem:$0x3F96];
	_ =	swait.ge [sflag:s4], $0x0  }
0x19: {  	s7 =	sld [smem:$0x3F97]  }
0x1a: {  	s8 =	sadd.s32 $0xFFFFE003, lr  }
0x1b: {  	s9 =	sadd.s32 $0xFFFFFEF7, lr;
	s5 =	simm.s32 $0xFFFFFFFF;
	p2 =	slt.u32 s8, $0xFFFFF086  }
0x1c: {  	p1 =	slt.u32 s9, $0xF7A;
	s5 =	simm.s32 @!p2 $0x0  }
0x1d: {  	s5 =	simm.s32 @p1 $0x1;
	p0 =	seq.s32 s7, s2  }
0x1e: {  	s7 =	smul.u32 @!p0 $0xF7A, s2;
	p2 =	seq.s32 @!p0 s5, $0x0  }
0x1f: {  	s9 =	smul.u32 $0xF7A, s1;
	s8 =	simm.s32 @!p0 $0x1BF5;
	p2 =	por !p2, p0  }
0x20: {  	[sflag:s8] =	ssyncset.s32 @!p0 $0xFFFFF086;
	s6 =	sadd.s32 @!p0 s3, s7;
	s7 =	simm.s32 @!p0 $0x108  }
0x21: {  	s3 =	sadd.s32 s3, s9;
	s6 =	sadd.s32 @!p0 $0x88, s6;
	s7 =	simm.s32 @p2 $0x1082  }
0x22: {  	[simem:s7], [sflag:s8] =	dma.local @!p0 [hbm:s6], $0xF7A  }
0x23: {  	s9 =	sor.u32 $0xD0000000, s2;
	s6 =	simm.s32 $0x108;
	_ =	swait.ge @!p0 [sflag:s8], $0x0  }
0x24: {  	s3 =	sadd.s32 $0x88, s3;
	s6 =	simm.s32 @!p1 $0x1082;
	[sflag:s4] =	ssyncset.s32 $0xFFFFF086  }
0x25: {  	[simem:s6], [sflag:s4] =	dma.local [hbm:s3], $0xF7A  }
0x26: {  	[smem:$0x3F97] =	sst s1;
	(tag) =	ssettag s2;
	_ =	strace s9  }
0x27: {  	s1 =	sld [smem:$0x3FA7]  }
0x28: {  	s2 =	sld [smem:$0x3FA8]  }
0x29: {  	s4 =	sld [smem:$0x3FAA]  }
0x2a: {  	p0 =	seq.s32 s5, $0x0;
	s5 =	sld [smem:$0x3FAB]  }
0x2b: {  	s6 =	sld [smem:$0x3FAC]  }
0x2c: {  	s7 =	sld [smem:$0x3FAD]  }
0x2d: {  	s3 =	simm.s32 $0x108;
	s8 =	sld [smem:$0x3FAE]  }
0x2e: {  	s3 =	simm.s32 @!p0 $0x1082;
	s9 =	sld [smem:$0x3FAF]  }
0x2f: {  	lr =	sadd.s32 s0, s3;
	s0 =	sld [smem:$0x3FA6]  }
0x30: {  	s3 =	sld [smem:$0x3FA9]  }
0x31: {  	[smem:$0x3FB2] =	sst s10  }
0x32: {  	s10 =	sld [smem:$0x3FB0];
	_ =	sdelay $0x3  }
0x33: {  	p0 =	seq.s32 s10, $0x1;
	s10 =	sld [smem:$0x3FB2];
	_ =	sdelay $0x3  }
0x34: {  	[smem:$0x3FB2] =	sst s10  }
0x35: {  	s10 =	sld [smem:$0x3FB1];
	_ =	sdelay $0x3  }
0x36: {  	p1 =	seq.s32 s10, $0x1;
	s10 =	sld [smem:$0x3FB2];
	_ =	sdelay $0x3  }
0x37: {  	[smem:$0x3FB2] =	sst s10  }
0x38: {  	s10 =	sld [smem:$0x3FB3]  }
0x39: {  	_ = 	snop;
	(pc) =	sbr.ind lr, $3  }
0x3a: {  	_ = 	snop  }
0x3b: {  	_ = 	snop  }
0x3c: {  	p2 =	seq.s32 s10, $0x1;
	s10 =	sld [smem:$0x3FB2]  }
0x3d: {  	_ =	shalt  }
0x3e: {  	_ =	shalt  }
0x3f: {  	_ =	shalt  }
0x40: {  	_ =	shalt  }
0x41: {  	_ =	shalt  }
0x42: {  	_ =	shalt  }
0x43: {  	_ =	shalt  }
0x44: {  	_ =	shalt  }
0x45: {  	_ =	shalt  }
0x46: {  	_ =	shalt  }
0x47: {  	_ =	shalt  }
0x48: {  	_ =	shalt  }
0x49: {  	_ =	shalt  }
0x4a: {  	_ =	shalt  }
0x4b: {  	_ =	shalt  }
0x4c: {  	_ =	shalt  }
0x4d: {  	_ =	shalt  }
0x4e: {  	_ =	shalt  }
0x4f: {  	_ =	shalt  }
0x50: {  	_ =	shalt  }
0x51: {  	_ =	shalt  }
0x52: {  	_ =	shalt  }
0x53: {  	_ =	shalt  }
0x54: {  	_ =	shalt  }
0x55: {  	_ =	shalt  }
0x56: {  	_ =	shalt  }
0x57: {  	_ =	shalt  }
0x58: {  	_ =	shalt  }
0x59: {  	_ =	shalt  }
0x5a: {  	_ =	shalt  }
0x5b: {  	_ =	shalt  }
0x5c: {  	_ =	shalt  }
0x5d: {  	_ =	shalt  }
0x5e: {  	_ =	shalt  }
0x5f: {  	_ =	shalt  }
0x60: {  	_ =	shalt  }
0x61: {  	_ =	shalt  }
0x62: {  	_ =	shalt  }
0x63: {  	_ =	shalt  }
0x64: {  	_ =	shalt  }
0x65: {  	_ =	shalt  }
0x66: {  	_ =	shalt  }
0x67: {  	_ =	shalt  }
0x68: {  	_ =	shalt  }
0x69: {  	_ =	shalt  }
0x6a: {  	_ =	shalt  }
0x6b: {  	_ =	shalt  }
0x6c: {  	_ =	shalt  }
0x6d: {  	_ =	shalt  }
0x6e: {  	_ =	shalt  }
0x6f: {  	_ =	shalt  }
0x70: {  	_ =	shalt  }
0x71: {  	_ =	shalt  }
0x72: {  	_ =	shalt  }
0x73: {  	_ =	shalt  }
0x74: {  	_ =	shalt  }
0x75: {  	_ =	shalt  }
0x76: {  	_ =	shalt  }
0x77: {  	_ =	shalt  }
0x78: {  	_ =	shalt  }
0x79: {  	_ =	shalt  }
0x7a: {  	_ =	shalt  }
0x7b: {  	_ =	shalt  }
0x7c: {  	_ =	shalt  }
0x7d: {  	_ =	shalt  }
0x7e: {  	_ =	shalt  }
0x7f: {  	_ =	shalt  }
0x80: {  	_ =	shalt  }
0x81: {  	_ =	shalt  }
0x82: {  	_ =	shalt  }
0x83: {  	_ =	shalt  }
0x84: {  	_ =	shalt  }
0x85: {  	_ =	shalt  }
0x86: {  	_ =	shalt  }
0x87: {  	_ =	shalt  }
.Lfunc_end0:
.L_simem_size_0:
called_computation_lowered:
.L_overlay_start_0:
0x88: {  	s2 =	sld [smem:$0x3FD9]  }
0x89: {  	s3 =	sld [smem:$0x3FFE];
	_ =	sdelay $0x1  }
0x8a: {  	s1 =	srdreg.scid  }
0x8b: {  	s0 =	sand.u32 $0x1, s1  }
0x8c: {  	s17 =	sshll.u32 s0, $0xA;
	s2 =	sadd.s32 s3, s2  }
0x8d: {  	s2 =	sadd.s32 s2, s17  }
0x8e: {  	[smem:$0x3FBE] =	sst s2  }
0x8f: {  	_ = 	snop  }
0x90: {  	s2 =	sld [smem:$0x3FC7]  }
0x91: {  	s18 =	sld [smem:$0x3FC4]  }
0x92: {  	s4 =	sld [smem:$0x3FD0];
	(tm) =	ssettm $0x1  }
0x93: {  	s5 =	sld [smem:$0x3FFB];
	_ =	sdelay $0x3  }
0x94: {  	_ =	strace s5  }
0x95: {  	s5 =	sld [smem:$0x3FFC];
	_ =	sdelay $0x3  }
0x96: {  	_ =	strace s5  }
0x97: {  	s5 =	sld [smem:$0x3FFD];
	_ =	sdelay $0x3  }
0x98: {  	_ =	strace s5  }
0x99: {  	_ =	strace $0x8FFFFFFF  }
0x9a: {  	s19 =	sld [smem:$0x3FDB];
	_ =	sdelay $0x1  }
0x9b: {  	s6 =	simm.s32 $_scs_section_size  }
0x9c: {  	s7 =	simm.s32 $_size__tile_overlayer_lowered;
	s8 =	simm.s32 $_tile_overlayer_lowered  }
0x9d: {  	s22 =	simm.s32 $0x1BFF;
	s21 =	sshll.u32 s8, $0x1;
	s5 =	sadd.s32 s6, s19  }
0x9e: {  	s9 =	simm.s32 $0x0;
	s20 =	sshll.u32 s7, $0x1;
	s7 =	sadd.s32 s21, s5  }
0x9f: {  	[timem:s9], [sflag:s22] =	dma.local [hbm:s7], s20  }
0xa0: {  	_ =	swait.ge [sflag:s22], s20  }
0xa1: {  	s6 =	ssub.s32 $0x0, s20;
	[sflag:s22] =	ssyncset.done $0x0  }
0xa2: {  	[sflag:s22] =	ssyncadd.s32 s6;
	_ =	sdelay $0x1  }
0xa3: {  	s23 =	simm.s32 $0x1B8B  }
0xa4: {  	_ =	swait.ge [sflag:s23], $0x1  }
0xa5: {  	[sflag:s23] =	ssyncset.done $0x0  }
0xa6: {  	s25 =	simm.s32 $0x1B8E;
	s24 =	sld [smem:$0x3FFE];
	[sflag:s23] =	ssyncadd.s32 $0xFFFFFFFF  }
0xa7: {  	s26 =	simm.s32 $execute0_lowered;
	[smem:$0x3FD2] =	sst s25  }
0xa8: {  	s7 =	sshll.u32 s26, $0x1;
	_ =	strace $0x80000046;
	[dreg:$0x1] =	wrdreg $0xFFFFFFFF  }
0xa9: {  	s28 =	simm.s32 $_size_execute0_lowered;
	s5 =	sadd.s32 s5, s7;
	[dreg:$0x0] =	wrdreg $0x0  }
0xaa: {  	s7 =	sshll.u32 s28, $0x1;
	[dreg:$0x2] =	wrdreg s5  }
0xab: {  	[dreg:$0x3] =	wrdreg s7  }
0xac: {  	[dreg:$0x4] =	wrdreg $0xC0  }
0xad: {  	_ =	task [dreg:s9], $0x5FFFF  }
0xae: {  	[dreg:$0x1] =	wrdreg $0xFFFFFFFF  }
0xaf: {  	[dreg:$0x0] =	wrdreg $0x60  }
0xb0: {  	[dreg:$0x2] =	wrdreg s4  }
0xb1: {  	[dreg:$0x3] =	wrdreg s24  }
0xb2: {  	[dreg:$0x4] =	wrdreg s2  }
0xb3: {  	[dreg:$0x5] =	wrdreg s18  }
0xb4: {  	[dreg:$0x6] =	wrdreg $0x9  }
0xb5: {  	_ =	task.clear_ibuf [dreg:s9], $0x7FFFF;
	_ =	strace $0x90000046  }
0xb6: {  	s29 =	simm.s32 $0x9;
	_ =	strace $0x80000048  }
0xb7: {  	_ =	swait.ge [sflag:s29], $0x1  }
0xb8: {  	[sflag:s29] =	ssyncadd.s32 $0xFFFFFFFF  }
0xb9: {  	_ =	strace $0x90000048  }
0xba: {  	_ =	sfence  }
0xbb: {  	s30 =	sld [smem:$0x0];
	_ =	sdelay $0x2  }
0xbc: {  	s31 =	sshll.u32 s1, $0xD;
	s1 =	sshrl.u32 s1, $0x2  }
0xbd: {  	s3 =	sand.u32 $0x4000, s31;
	s1 =	sadd.s32 s1, s30  }
0xbe: {  	s0 =	sor.u32 s3, s0;
	s1 =	sshll.u32 s1, $0x11  }
0xbf: {  	s0 =	sor.u32 s1, s0  }
0xc0: {  	s0 =	sadd.s32 $0x8F2B, s0  }
0xc1: {  	[sflag:s0] =	ssyncadd.remote.s32 $0x1  }
0xc2: {  	_ =	sfence.sel $0xFFFF  }
0xc3: {  	[dreg:$0x0] =	wrdreg $0xFFFFFFFF;
	(pc) =	sbr.abs _section_cstart, $3  }
0xc4: {  	[dreg:$0x1] =	wrdreg $0xFFFFFFFF  }
0xc5: {  	_ =	task.clear_ibuf [dreg:s9], $0x2FFFF;
	_ =	strace $0x9FFFFFFF  }
0xc6: {  	(tm) =	ssettm $0x7FFFFFFF  }
0xc7: {  	_ =	shalt  }
tec
execute0_lowered:
.L_overlay_start_1:
0x0: {  	(tag) =	ssettag $0x1  }
0x1: {  	s0 =	rddreg [dreg:$0x1]  }
0x2: {  	s1 =	rddreg [dreg:$0x2]  }
0x3: {  	s2 =	rddreg [dreg:$0x3]  }
0x4: {  	s3 =	simm.s32 $0x0;
	s4 =	srdreg.scid;
	s5 =	stileid.u32  }
0x5: {  	s23 =	simm.s32 $0x1;
	s24 =	simm.s32 $0x2780;
	s25 =	simm.s32 $0x4F00  }
0x6: {  	s26 =	simm.s32 $0x4F80;
	s28 =	simm.s32 $0x7780;
	s29 =	simm.s32 $0x0  }
0x7: {  	[smem:$0x7FF] =	sst s3;
	s6 =	sand.u32 $0x1, s4;
	s5 =	sshll.u32 s5, $0x1  }
0x8: {  	s4 =	sadd.s32 $0xB200, s0;
	s20 =	sadd.s32 $0x1400, s0;
	s10 =	sor.u32 s6, s5  }
0x9: {  	_ =	strace $0x80000047;
	s6 =	ssub.s32 $0x2, s6;
	s17 =	smul.u32 $0x2800, s10  }
0xa: {  	s5 =	sadd.s32 $0x1200, s0;
	s7 =	sshrl.u32 s6, $0x1;
	s8 =	smul.u32 $0xA00, s10  }
0xb: {  	s0 =	sadd.s32 $0xB800, s0;
	p0 =	seq.s32 s10, $0x1F;
	s22 =	ssub.s32 s6, s7  }
0xc: {  	s9 =	sshrl.u32 s17, $0x3;
	s6 =	sadd.s32 s1, s8;
	s11 =	sadd.s32 $0xA00, s17  }
0xd: {  	s15 =	sadd.s32 $0x1400, s17;
	s19 =	sadd.s32 $0x1E00, s17;
	s22 =	smax.u32 s22, $0x1  }
0xe: {  	s7 =	sadd.s32 s2, s9;
	s8 =	sadd.s32 s20, s9;
	s9 =	sadd.s32 s0, s9  }
0xf: {  	s12 =	sshrl.u32 s11, $0x2;
	s13 =	sshrl.u32 s11, $0x3;
	s14 =	sshrl.u32 s15, $0x2  }
0x10: {  	s18 =	sshrl.u32 s15, $0x3;
	s31 =	sshrl.u32 s19, $0x2;
	s21 =	sshrl.u32 s19, $0x3  }
.Ltmp0:
0x11: {  	s12 =	sadd.s32 s1, s12;
	s11 =	sadd.s32 s2, s13;
	(pc) =	sbr.rel .LBB2_1-.Ltmp0, $4  }
0x12: {  	s14 =	sadd.s32 s1, s14;
	s15 =	sadd.s32 s2, s18;
	s16 =	sadd.s32 s20, s18  }
0x13: {  	s17 =	sadd.s32 s0, s18;
	s18 =	sadd.s32 s1, s31;
	[dreg:$0x5] =	wrdreg s12  }
0x14: {  	s19 =	sadd.s32 s2, s21;
	[dreg:$0x6] =	wrdreg s11;
	s12 =	sadd.s32 s20, s13  }
0x15: {  	s13 =	sadd.s32 s0, s13;
	s20 =	sadd.s32 s20, s21;
	s21 =	sadd.s32 s0, s21  }
.LBB2_10:
0x16: {  	v2 =	vld [tilespmem:s10+$0x5000]  }
0x17: {  	v3 =	vld [tilespmem:s10+$0x4F80]  }
0x18: {  	s0 =	sadd.s32 $0x10, s0  }
0x19: {  	v4 =	vld [tilespmem:s0+$0x0];
	_ =	sdelay $0x4  }
0x1a: {  	v2 =	vld.idx.msk [tilespmem:v2+s24+$0x0], $0xffff  }
0x1b: {  	v3 =	vld.idx.msk [tilespmem:v3+s3+$0x0], $0xffff;
	_ =	sdelay $0x1  }
0x1c: {  	v4 =	vld.idx.msk [tilespmem:v4+s25+$0x0], $0xffff  }
0x1d: {  	s11 =	sadd.s32 $0x10, s31  }
0x1e: {  	v5 =	vld [tilespmem:s11+$0x0]  }
0x1f: {  	v2 =	vadd.f32 v2, v3;
	_ =	sdelay $0x1  }
0x20: {  	v2 =	vadd.f32 v4, v2;
	_ =	sdelay $0x1  }
0x21: {  	v2 =	vadd.f32 v5, v2;
	_ =	sdelay $0x1  }
0x22: {  	v63 =	vmul.f32 $1.000000010e-01, v2  }
0x23: {  	vm0 =	vge.f32 v2, $0.0e+00  }
0x24: {  	v2 =	vsel vm0, v2, v63  }
0x25: {  	v0 =	vmul.f32 v2, v0;
	_ =	sdelay $0x1  }
0x26: {  	v0 =	vadd.f32 v0, v1  }
0x27: {  	s31 =	sadd.s32 $0x10, s30  }
0x28: {  	[tilespmem:s31+$0x0] =	vst v0  }
0x29: {  	[hbm4b:s21+s3] =	stream.linear.scatter [tilespmem:s28], [sflag:$0x1], $0xA00, $0x38;
	[tilespmem:$0x8180] =	vst v63  }
0x2a: {  	_ =	swait.ge [sflag:s23], $0xA00  }
0x2b: {  	[sflag:s23] =	ssyncset.done $0x0  }
0x2c: {  	[sflag:s23] =	ssyncadd.s32 $0xFFFFF600  }
.LBB2_11:
0x2d: {  	s29 =	sadd.s32 $0x1, s29  }
0x2e: {  	p1 =	sne.s32 s29, s22  }
.Ltmp1:
0x2f: {  	_ = 	snop;
	(pc) =	sbr.rel @!p1 .LBB2_12-.Ltmp1, $1  }
0x30: {  	_ =	sdelay $0x3  }
.LBB2_1:
0x31: {  	s0 =	rddreg [dreg:$0x0]  }
0x32: {  	[tilespmem:s3], [sflag:$0x1] =	stream.linear.gather [hbm4b:s0+s3], $0x2780, $0x38;
	[tilespmem:$0x8180] =	vst v63  }
0x33: {  	_ =	swait.ge [sflag:s23], $0x2780  }
0x34: {  	[sflag:s23] =	ssyncset.done $0x0  }
0x35: {  	[sflag:s23] =	ssyncadd.s32 $0xFFFFD880  }
0x36: {  	[tilespmem:s24], [sflag:$0x1] =	stream.linear.gather [hbm4b:s4+s3], $0x2780, $0x38;
	[tilespmem:$0x8180] =	vst v63  }
0x37: {  	_ =	swait.ge [sflag:s23], $0x2780  }
0x38: {  	[sflag:s23] =	ssyncset.done $0x0  }
0x39: {  	[sflag:s23] =	ssyncadd.s32 $0xFFFFD880  }
0x3a: {  	[tilespmem:s25], [sflag:$0x1] =	stream.linear.gather [hbm4b:s5+s3], $0x80, $0x38;
	[tilespmem:$0x8180] =	vst v63  }
0x3b: {  	_ =	swait.ge [sflag:s23], $0x80  }
0x3c: {  	[sflag:s23] =	ssyncset.done $0x0  }
0x3d: {  	[sflag:s23] =	ssyncadd.s32 $0xFFFFFF80  }
0x3e: {  	v0 =	vld [tilespmem:$0x4F10]  }
0x3f: {  	v1 =	vld [tilespmem:$0x4F20];
	[tilespmem:s26], [sflag:$0x1] =	stream.linear.gather [hbm4b:s6+s3], $0x1400, $0x38  }
0x40: {  	_ =	swait.ge [sflag:s23], $0x1400  }
0x41: {  	[sflag:s23] =	ssyncset.done $0x0  }
0x42: {  	s30 =	simm.s32 $0x6380;
	[sflag:s23] =	ssyncadd.s32 $0xFFFFEC00  }
0x43: {  	[tilespmem:s30], [sflag:$0x1] =	stream.linear.gather [hbm4b:s7+s3], $0xA00, $0x38;
	[tilespmem:$0x8180] =	vst v63  }
0x44: {  	_ =	swait.ge [sflag:s23], $0xA00  }
0x45: {  	[sflag:s23] =	ssyncset.done $0x0  }
0x46: {  	s31 =	simm.s32 $0x6D80;
	[sflag:s23] =	ssyncadd.s32 $0xFFFFF600  }
0x47: {  	[tilespmem:s31], [sflag:$0x1] =	stream.linear.gather [hbm4b:s8+s3], $0xA00, $0x38;
	[tilespmem:$0x8180] =	vst v63  }
0x48: {  	_ =	swait.ge [sflag:s23], $0xA00  }
0x49: {  	s2 =	sand.u32 $0x70, s3;
	s1 =	sand.u32 $0x1F00, s3;
	[sflag:s23] =	ssyncset.done $0x0  }
0x4a: {  	s0 =	sor.u32 s2, s1;
	[sflag:s23] =	ssyncadd.s32 $0xFFFFF600  }
0x4b: {  	v2 =	vld [tilespmem:s0+$0x5000]  }
0x4c: {  	v3 =	vld [tilespmem:s0+$0x4F80];
	_ =	sdelay $0x1  }
0x4d: {  	v4 =	vld [tilespmem:s30+$0x0];
	_ =	sdelay $0x4  }
0x4e: {  	v2 =	vld.idx.msk [tilespmem:v2+s24+$0x0], $0xffff  }
0x4f: {  	v3 =	vld.idx.msk [tilespmem:v3+s3+$0x0], $0xffff;
	_ =	sdelay $0x1  }
0x50: {  	v4 =	vld.idx.msk [tilespmem:v4+s25+$0x0], $0xffff;
	_ =	sdelay $0x1  }
0x51: {  	v5 =	vld [tilespmem:s31+$0x0]  }
0x52: {  	v2 =	vadd.f32 v2, v3;
	_ =	sdelay $0x1  }
0x53: {  	v2 =	vadd.f32 v4, v2;
	_ =	sdelay $0x1  }
0x54: {  	v2 =	vadd.f32 v5, v2;
	_ =	sdelay $0x1  }
0x55: {  	v3 =	vmul.f32 $1.000000010e-01, v2  }
0x56: {  	vm0 =	vge.f32 v2, $0.0e+00  }
0x57: {  	v2 =	vsel vm0, v2, v3  }
0x58: {  	v2 =	vmul.f32 v2, v0;
	_ =	sdelay $0x1  }
0x59: {  	s10 =	simm.s32 $0x10;
	s2 =	simm.s32 $0x20;
	v2 =	vadd.f32 v2, v1  }
0x5a: {  	s11 =	sand.u32 $0x1F00, s2;
	s0 =	sand.u32 $0x70, s10  }
0x5b: {  	s1 =	simm.s32 $0x20;
	s10 =	sor.u32 s0, s11;
	s0 =	simm.s32 $0x7780;
	[tilespmem:s28+$0x0] =	vst v2  }
.LBB2_2:
0x5c: {  	p1 =	sne.s32 s1, $0x9F0;
	v2 =	vld [tilespmem:s10+$0x5000]  }
0x5d: {  	v3 =	vld [tilespmem:s10+$0x4F80]  }
0x5e: {  	s30 =	sadd.s32 $0x10, s30  }
0x5f: {  	v4 =	vld [tilespmem:s30+$0x0];
	_ =	sdelay $0x4  }
0x60: {  	v2 =	vld.idx.msk [tilespmem:v2+s24+$0x0], $0xffff  }
0x61: {  	v3 =	vld.idx.msk [tilespmem:v3+s3+$0x0], $0xffff;
	_ =	sdelay $0x1  }
0x62: {  	v4 =	vld.idx.msk [tilespmem:v4+s25+$0x0], $0xffff;
	_ =	sdelay $0x1  }
0x63: {  	s31 =	sadd.s32 $0x10, s31  }
0x64: {  	v5 =	vld [tilespmem:s31+$0x0]  }
0x65: {  	v2 =	vadd.f32 v2, v3;
	_ =	sdelay $0x1  }
0x66: {  	v2 =	vadd.f32 v4, v2;
	_ =	sdelay $0x1  }
0x67: {  	v2 =	vadd.f32 v5, v2;
	_ =	sdelay $0x1  }
0x68: {  	v3 =	vmul.f32 $1.000000010e-01, v2  }
0x69: {  	vm0 =	vge.f32 v2, $0.0e+00  }
0x6a: {  	v2 =	vsel vm0, v2, v3  }
.Ltmp2:
0x6b: {  	v2 =	vmul.f32 v2, v0;
	(pc) =	sbr.rel @p1 .LBB2_2-.Ltmp2, $4  }
0x6c: {  	_ = 	snop  }
0x6d: {  	s2 =	sadd.s32 $0x20, s2;
	v2 =	vadd.f32 v2, v1  }
0x6e: {  	s0 =	sadd.s32 $0x10, s0;
	s10 =	sand.u32 $0x70, s1;
	s11 =	sand.u32 $0x1F00, s2  }
0x6f: {  	s1 =	sadd.s32 $0x10, s1;
	s10 =	sor.u32 s10, s11;
	[tilespmem:s0+$0x0] =	vst v2  }
0x70: {  	v2 =	vld [tilespmem:s10+$0x5000]  }
0x71: {  	v3 =	vld [tilespmem:s10+$0x4F80]  }
0x72: {  	s1 =	sadd.s32 $0x10, s30  }
0x73: {  	v4 =	vld [tilespmem:s1+$0x0];
	_ =	sdelay $0x4  }
0x74: {  	v2 =	vld.idx.msk [tilespmem:v2+s24+$0x0], $0xffff  }
0x75: {  	v3 =	vld.idx.msk [tilespmem:v3+s3+$0x0], $0xffff;
	_ =	sdelay $0x1  }
0x76: {  	v4 =	vld.idx.msk [tilespmem:v4+s25+$0x0], $0xffff  }
0x77: {  	s31 =	sadd.s32 $0x10, s31  }
0x78: {  	v5 =	vld [tilespmem:s31+$0x0]  }
0x79: {  	v2 =	vadd.f32 v2, v3;
	_ =	sdelay $0x1  }
0x7a: {  	v2 =	vadd.f32 v4, v2;
	_ =	sdelay $0x1  }
0x7b: {  	v2 =	vadd.f32 v5, v2;
	_ =	sdelay $0x1  }
0x7c: {  	v3 =	vmul.f32 $1.000000010e-01, v2  }
0x7d: {  	vm0 =	vge.f32 v2, $0.0e+00  }
0x7e: {  	v2 =	vsel vm0, v2, v3  }
0x7f: {  	v2 =	vmul.f32 v2, v0;
	_ =	sdelay $0x1  }
0x80: {  	v2 =	vadd.f32 v2, v1  }
0x81: {  	s0 =	sadd.s32 $0x10, s0  }
.Ltmp3:
0x82: {  	[tilespmem:s0+$0x0] =	vst v2;
	(pc) =	sbr.rel @p0 .LBB2_11-.Ltmp3, $4  }
0x83: {  	[hbm4b:s9+s3] =	stream.linear.scatter [tilespmem:s28], [sflag:$0x1], $0xA00, $0x38;
	[tilespmem:$0x8180] =	vst v63  }
0x84: {  	_ =	swait.ge [sflag:s23], $0xA00  }
0x85: {  	[sflag:s23] =	ssyncset.done $0x0  }
0x86: {  	[sflag:s23] =	ssyncadd.s32 $0xFFFFF600  }
0x87: {  	s0 =	simm.s32 $0x0;
	s1 =	rddreg [dreg:$0x5]  }
0x88: {  	[tilespmem:s26], [sflag:$0x1] =	stream.linear.gather [hbm4b:s1+s0], $0x1400, $0x38;
	[tilespmem:$0x8180] =	vst v63  }
0x89: {  	_ =	swait.ge [sflag:s23], $0x1400  }
0x8a: {  	[sflag:s23] =	ssyncset.done $0x0  }
0x8b: {  	s30 =	simm.s32 $0x6380;
	s2 =	rddreg [dreg:$0x6];
	[sflag:s23] =	ssyncadd.s32 $0xFFFFEC00  }
0x8c: {  	[tilespmem:s30], [sflag:$0x1] =	stream.linear.gather [hbm4b:s2+s0], $0xA00, $0x38;
	[tilespmem:$0x8180] =	vst v63  }
0x8d: {  	_ =	swait.ge [sflag:s23], $0xA00  }
0x8e: {  	[sflag:s23] =	ssyncset.done $0x0  }
0x8f: {  	s31 =	simm.s32 $0x6D80;
	[sflag:s23] =	ssyncadd.s32 $0xFFFFF600  }
0x90: {  	[tilespmem:s31], [sflag:$0x1] =	stream.linear.gather [hbm4b:s12+s0], $0xA00, $0x38;
	[tilespmem:$0x8180] =	vst v63  }
0x91: {  	_ =	swait.ge [sflag:s23], $0xA00  }
0x92: {  	s10 =	sand.u32 $0x70, s0;
	s0 =	sand.u32 $0x1F00, s0;
	[sflag:s23] =	ssyncset.done $0x0  }
0x93: {  	s0 =	sor.u32 s10, s0;
	[sflag:s23] =	ssyncadd.s32 $0xFFFFF600  }
0x94: {  	v2 =	vld [tilespmem:s0+$0x5000]  }
0x95: {  	v3 =	vld [tilespmem:s0+$0x4F80];
	_ =	sdelay $0x1  }
0x96: {  	v4 =	vld [tilespmem:s30+$0x0];
	_ =	sdelay $0x4  }
0x97: {  	v2 =	vld.idx.msk [tilespmem:v2+s24+$0x0], $0xffff  }
0x98: {  	v3 =	vld.idx.msk [tilespmem:v3+s3+$0x0], $0xffff;
	_ =	sdelay $0x1  }
0x99: {  	v4 =	vld.idx.msk [tilespmem:v4+s25+$0x0], $0xffff;
	_ =	sdelay $0x1  }
0x9a: {  	v5 =	vld [tilespmem:s31+$0x0]  }
0x9b: {  	v2 =	vadd.f32 v2, v3;
	_ =	sdelay $0x1  }
0x9c: {  	v2 =	vadd.f32 v4, v2;
	_ =	sdelay $0x1  }
0x9d: {  	v2 =	vadd.f32 v5, v2;
	_ =	sdelay $0x1  }
0x9e: {  	v3 =	vmul.f32 $1.000000010e-01, v2  }
0x9f: {  	vm0 =	vge.f32 v2, $0.0e+00  }
0xa0: {  	v2 =	vsel vm0, v2, v3  }
0xa1: {  	v2 =	vmul.f32 v2, v0;
	_ =	sdelay $0x1  }
0xa2: {  	s11 =	simm.s32 $0x10;
	s2 =	simm.s32 $0x20;
	v2 =	vadd.f32 v2, v1  }
0xa3: {  	s1 =	sand.u32 $0x70, s11;
	s10 =	sand.u32 $0x1F00, s2;
	s0 =	simm.s32 $0x7780  }
0xa4: {  	s10 =	sor.u32 s1, s10;
	s1 =	simm.s32 $0x20;
	[tilespmem:s0+$0x0] =	vst v2  }
.LBB2_5:
0xa5: {  	p1 =	sne.s32 s1, $0x9F0;
	v2 =	vld [tilespmem:s10+$0x5000]  }
0xa6: {  	v3 =	vld [tilespmem:s10+$0x4F80]  }
0xa7: {  	s30 =	sadd.s32 $0x10, s30  }
0xa8: {  	v4 =	vld [tilespmem:s30+$0x0];
	_ =	sdelay $0x4  }
0xa9: {  	v2 =	vld.idx.msk [tilespmem:v2+s24+$0x0], $0xffff  }
0xaa: {  	v3 =	vld.idx.msk [tilespmem:v3+s3+$0x0], $0xffff;
	_ =	sdelay $0x1  }
0xab: {  	v4 =	vld.idx.msk [tilespmem:v4+s25+$0x0], $0xffff;
	_ =	sdelay $0x1  }
0xac: {  	s31 =	sadd.s32 $0x10, s31  }
0xad: {  	v5 =	vld [tilespmem:s31+$0x0]  }
0xae: {  	v2 =	vadd.f32 v2, v3;
	_ =	sdelay $0x1  }
0xaf: {  	v2 =	vadd.f32 v4, v2;
	_ =	sdelay $0x1  }
0xb0: {  	v2 =	vadd.f32 v5, v2;
	_ =	sdelay $0x1  }
0xb1: {  	v3 =	vmul.f32 $1.000000010e-01, v2  }
0xb2: {  	vm0 =	vge.f32 v2, $0.0e+00  }
0xb3: {  	v2 =	vsel vm0, v2, v3  }
.Ltmp4:
0xb4: {  	v2 =	vmul.f32 v2, v0;
	(pc) =	sbr.rel @p1 .LBB2_5-.Ltmp4, $4  }
0xb5: {  	_ = 	snop  }
0xb6: {  	s2 =	sadd.s32 $0x20, s2;
	v2 =	vadd.f32 v2, v1  }
0xb7: {  	s0 =	sadd.s32 $0x10, s0;
	s10 =	sand.u32 $0x70, s1;
	s11 =	sand.u32 $0x1F00, s2  }
0xb8: {  	s1 =	sadd.s32 $0x10, s1;
	s10 =	sor.u32 s10, s11;
	[tilespmem:s0+$0x0] =	vst v2  }
0xb9: {  	v2 =	vld [tilespmem:s10+$0x5000]  }
0xba: {  	v3 =	vld [tilespmem:s10+$0x4F80]  }
0xbb: {  	s1 =	sadd.s32 $0x10, s30  }
0xbc: {  	v4 =	vld [tilespmem:s1+$0x0];
	_ =	sdelay $0x4  }
0xbd: {  	v2 =	vld.idx.msk [tilespmem:v2+s24+$0x0], $0xffff  }
0xbe: {  	v3 =	vld.idx.msk [tilespmem:v3+s3+$0x0], $0xffff;
	_ =	sdelay $0x1  }
0xbf: {  	v4 =	vld.idx.msk [tilespmem:v4+s25+$0x0], $0xffff  }
0xc0: {  	s10 =	sadd.s32 $0x10, s31  }
0xc1: {  	v5 =	vld [tilespmem:s10+$0x0]  }
0xc2: {  	v2 =	vadd.f32 v2, v3;
	_ =	sdelay $0x1  }
0xc3: {  	v2 =	vadd.f32 v4, v2;
	_ =	sdelay $0x1  }
0xc4: {  	v2 =	vadd.f32 v5, v2;
	_ =	sdelay $0x1  }
0xc5: {  	v3 =	vmul.f32 $1.000000010e-01, v2  }
0xc6: {  	vm0 =	vge.f32 v2, $0.0e+00  }
0xc7: {  	v2 =	vsel vm0, v2, v3  }
0xc8: {  	v2 =	vmul.f32 v2, v0;
	_ =	sdelay $0x1  }
0xc9: {  	v2 =	vadd.f32 v2, v1  }
0xca: {  	s0 =	sadd.s32 $0x10, s0  }
0xcb: {  	s11 =	simm.s32 $0x0;
	s30 =	simm.s32 $0x7780;
	[tilespmem:s0+$0x0] =	vst v2  }
0xcc: {  	[hbm4b:s13+s11] =	stream.linear.scatter [tilespmem:s30], [sflag:$0x1], $0xA00, $0x38;
	[tilespmem:$0x8180] =	vst v63  }
0xcd: {  	_ =	swait.ge [sflag:s23], $0xA00  }
0xce: {  	[sflag:s23] =	ssyncset.done $0x0  }
0xcf: {  	[sflag:s23] =	ssyncadd.s32 $0xFFFFF600  }
0xd0: {  	[tilespmem:s26], [sflag:$0x1] =	stream.linear.gather [hbm4b:s14+s11], $0x1400, $0x38;
	[tilespmem:$0x8180] =	vst v63  }
0xd1: {  	_ =	swait.ge [sflag:s23], $0x1400  }
0xd2: {  	[sflag:s23] =	ssyncset.done $0x0  }
0xd3: {  	s31 =	simm.s32 $0x6380;
	[sflag:s23] =	ssyncadd.s32 $0xFFFFEC00  }
0xd4: {  	[tilespmem:s31], [sflag:$0x1] =	stream.linear.gather [hbm4b:s15+s11], $0xA00, $0x38;
	[tilespmem:$0x8180] =	vst v63  }
0xd5: {  	_ =	swait.ge [sflag:s23], $0xA00  }
0xd6: {  	[sflag:s23] =	ssyncset.done $0x0  }
0xd7: {  	s0 =	simm.s32 $0x6D80;
	[sflag:s23] =	ssyncadd.s32 $0xFFFFF600  }
0xd8: {  	[tilespmem:s0], [sflag:$0x1] =	stream.linear.gather [hbm4b:s16+s11], $0xA00, $0x38;
	[tilespmem:$0x8180] =	vst v63  }
0xd9: {  	_ =	swait.ge [sflag:s23], $0xA00  }
0xda: {  	s2 =	sand.u32 $0x70, s11;
	s1 =	sand.u32 $0x1F00, s11;
	[sflag:s23] =	ssyncset.done $0x0  }
0xdb: {  	s1 =	sor.u32 s2, s1;
	[sflag:s23] =	ssyncadd.s32 $0xFFFFF600  }
0xdc: {  	v2 =	vld [tilespmem:s1+$0x5000]  }
0xdd: {  	v3 =	vld [tilespmem:s1+$0x4F80];
	_ =	sdelay $0x1  }
0xde: {  	v62 =	vld [tilespmem:s31+$0x0];
	_ =	sdelay $0x4  }
0xdf: {  	v2 =	vld.idx.msk [tilespmem:v2+s24+$0x0], $0xffff  }
0xe0: {  	v3 =	vld.idx.msk [tilespmem:v3+s3+$0x0], $0xffff;
	_ =	sdelay $0x1  }
0xe1: {  	v4 =	vld.idx.msk [tilespmem:v62+s25+$0x0], $0xffff;
	_ =	sdelay $0x1  }
0xe2: {  	v63 =	vld [tilespmem:s0+$0x0]  }
0xe3: {  	v2 =	vadd.f32 v2, v3;
	_ =	sdelay $0x1  }
0xe4: {  	v2 =	vadd.f32 v4, v2;
	_ =	sdelay $0x1  }
0xe5: {  	v2 =	vadd.f32 v63, v2;
	_ =	sdelay $0x1  }
0xe6: {  	v3 =	vmul.f32 $1.000000010e-01, v2  }
0xe7: {  	vm15 =	vge.f32 v2, $0.0e+00  }
0xe8: {  	v2 =	vsel vm15, v2, v3  }
0xe9: {  	v2 =	vmul.f32 v2, v0;
	_ =	sdelay $0x1  }
0xea: {  	s10 =	simm.s32 $0x10;
	s2 =	simm.s32 $0x20;
	v2 =	vadd.f32 v2, v1  }
0xeb: {  	s11 =	sand.u32 $0x1F00, s2;
	s1 =	sand.u32 $0x70, s10  }
0xec: {  	s10 =	sor.u32 s1, s11;
	s1 =	simm.s32 $0x20;
	[tilespmem:s30+$0x0] =	vst v2  }
.LBB2_7:
0xed: {  	p1 =	sne.s32 s1, $0x9F0;
	v2 =	vld [tilespmem:s10+$0x5000]  }
0xee: {  	v3 =	vld [tilespmem:s10+$0x4F80]  }
0xef: {  	s31 =	sadd.s32 $0x10, s31  }
0xf0: {  	v4 =	vld [tilespmem:s31+$0x0];
	_ =	sdelay $0x4  }
0xf1: {  	v2 =	vld.idx.msk [tilespmem:v2+s24+$0x0], $0xffff  }
0xf2: {  	v3 =	vld.idx.msk [tilespmem:v3+s3+$0x0], $0xffff;
	_ =	sdelay $0x1  }
0xf3: {  	v4 =	vld.idx.msk [tilespmem:v4+s25+$0x0], $0xffff;
	_ =	sdelay $0x1  }
0xf4: {  	s0 =	sadd.s32 $0x10, s0  }
0xf5: {  	v5 =	vld [tilespmem:s0+$0x0]  }
0xf6: {  	v2 =	vadd.f32 v2, v3;
	_ =	sdelay $0x1  }
0xf7: {  	v2 =	vadd.f32 v4, v2;
	_ =	sdelay $0x1  }
0xf8: {  	v2 =	vadd.f32 v5, v2;
	_ =	sdelay $0x1  }
0xf9: {  	v3 =	vmul.f32 $1.000000010e-01, v2  }
0xfa: {  	vm0 =	vge.f32 v2, $0.0e+00  }
0xfb: {  	v2 =	vsel vm0, v2, v3  }
.Ltmp5:
0xfc: {  	v2 =	vmul.f32 v2, v0;
	(pc) =	sbr.rel @p1 .LBB2_7-.Ltmp5, $4  }
0xfd: {  	_ = 	snop  }
0xfe: {  	s2 =	sadd.s32 $0x20, s2;
	v2 =	vadd.f32 v2, v1  }
0xff: {  	s30 =	sadd.s32 $0x10, s30;
	s10 =	sand.u32 $0x70, s1;
	s11 =	sand.u32 $0x1F00, s2  }
0x100: {  	s1 =	sadd.s32 $0x10, s1;
	s10 =	sor.u32 s10, s11;
	[tilespmem:s30+$0x0] =	vst v2  }
0x101: {  	v2 =	vld [tilespmem:s10+$0x5000]  }
0x102: {  	v3 =	vld [tilespmem:s10+$0x4F80]  }
0x103: {  	s1 =	sadd.s32 $0x10, s31  }
0x104: {  	v4 =	vld [tilespmem:s1+$0x0];
	_ =	sdelay $0x4  }
0x105: {  	v2 =	vld.idx.msk [tilespmem:v2+s24+$0x0], $0xffff  }
0x106: {  	v3 =	vld.idx.msk [tilespmem:v3+s3+$0x0], $0xffff;
	_ =	sdelay $0x1  }
0x107: {  	v4 =	vld.idx.msk [tilespmem:v4+s25+$0x0], $0xffff  }
0x108: {  	s0 =	sadd.s32 $0x10, s0  }
0x109: {  	v5 =	vld [tilespmem:s0+$0x0]  }
0x10a: {  	v2 =	vadd.f32 v2, v3;
	_ =	sdelay $0x1  }
0x10b: {  	v2 =	vadd.f32 v4, v2;
	_ =	sdelay $0x1  }
0x10c: {  	v2 =	vadd.f32 v5, v2;
	_ =	sdelay $0x1  }
0x10d: {  	v3 =	vmul.f32 $1.000000010e-01, v2  }
0x10e: {  	vm0 =	vge.f32 v2, $0.0e+00  }
0x10f: {  	v2 =	vsel vm0, v2, v3  }
0x110: {  	v2 =	vmul.f32 v2, v0;
	_ =	sdelay $0x1  }
0x111: {  	v2 =	vadd.f32 v2, v1  }
0x112: {  	s10 =	sadd.s32 $0x10, s30  }
0x113: {  	s11 =	simm.s32 $0x0;
	s30 =	simm.s32 $0x7780;
	[tilespmem:s10+$0x0] =	vst v2  }
0x114: {  	[hbm4b:s17+s11] =	stream.linear.scatter [tilespmem:s30], [sflag:$0x1], $0xA00, $0x38;
	[tilespmem:$0x8180] =	vst v63  }
0x115: {  	_ =	swait.ge [sflag:s23], $0xA00  }
0x116: {  	[sflag:s23] =	ssyncset.done $0x0  }
0x117: {  	[sflag:s23] =	ssyncadd.s32 $0xFFFFF600  }
0x118: {  	[tilespmem:s26], [sflag:$0x1] =	stream.linear.gather [hbm4b:s18+s11], $0x1400, $0x38;
	[tilespmem:$0x8180] =	vst v63  }
0x119: {  	_ =	swait.ge [sflag:s23], $0x1400  }
0x11a: {  	[sflag:s23] =	ssyncset.done $0x0  }
0x11b: {  	s0 =	simm.s32 $0x6380;
	[sflag:s23] =	ssyncadd.s32 $0xFFFFEC00  }
0x11c: {  	[tilespmem:s0], [sflag:$0x1] =	stream.linear.gather [hbm4b:s19+s11], $0xA00, $0x38;
	[tilespmem:$0x8180] =	vst v63  }
0x11d: {  	_ =	swait.ge [sflag:s23], $0xA00  }
0x11e: {  	[sflag:s23] =	ssyncset.done $0x0  }
0x11f: {  	s31 =	simm.s32 $0x6D80;
	[sflag:s23] =	ssyncadd.s32 $0xFFFFF600  }
0x120: {  	[tilespmem:s31], [sflag:$0x1] =	stream.linear.gather [hbm4b:s20+s11], $0xA00, $0x38;
	[tilespmem:$0x8180] =	vst v63  }
0x121: {  	_ =	swait.ge [sflag:s23], $0xA00  }
0x122: {  	s2 =	sand.u32 $0x70, s11;
	s1 =	sand.u32 $0x1F00, s11;
	[sflag:s23] =	ssyncset.done $0x0  }
0x123: {  	s1 =	sor.u32 s2, s1;
	[sflag:s23] =	ssyncadd.s32 $0xFFFFF600  }
0x124: {  	v2 =	vld [tilespmem:s1+$0x5000]  }
0x125: {  	v3 =	vld [tilespmem:s1+$0x4F80];
	_ =	sdelay $0x1  }
0x126: {  	v62 =	vld [tilespmem:s0+$0x0];
	_ =	sdelay $0x4  }
0x127: {  	v2 =	vld.idx.msk [tilespmem:v2+s24+$0x0], $0xffff  }
0x128: {  	v3 =	vld.idx.msk [tilespmem:v3+s3+$0x0], $0xffff;
	_ =	sdelay $0x1  }
0x129: {  	v4 =	vld.idx.msk [tilespmem:v62+s25+$0x0], $0xffff;
	_ =	sdelay $0x1  }
0x12a: {  	v63 =	vld [tilespmem:s31+$0x0]  }
0x12b: {  	v2 =	vadd.f32 v2, v3;
	_ =	sdelay $0x1  }
0x12c: {  	v2 =	vadd.f32 v4, v2;
	_ =	sdelay $0x1  }
0x12d: {  	v2 =	vadd.f32 v63, v2;
	_ =	sdelay $0x1  }
0x12e: {  	v3 =	vmul.f32 $1.000000010e-01, v2  }
0x12f: {  	vm15 =	vge.f32 v2, $0.0e+00  }
0x130: {  	v2 =	vsel vm15, v2, v3  }
0x131: {  	v2 =	vmul.f32 v2, v0;
	_ =	sdelay $0x1  }
0x132: {  	s2 =	simm.s32 $0x20;
	s10 =	simm.s32 $0x10;
	v2 =	vadd.f32 v2, v1  }
0x133: {  	s11 =	sand.u32 $0x1F00, s2;
	s1 =	sand.u32 $0x70, s10  }
0x134: {  	s10 =	sor.u32 s1, s11;
	s1 =	simm.s32 $0x20;
	[tilespmem:s30+$0x0] =	vst v2  }
.LBB2_9:
0x135: {  	p1 =	sne.s32 s1, $0x9F0;
	v2 =	vld [tilespmem:s10+$0x5000]  }
0x136: {  	v3 =	vld [tilespmem:s10+$0x4F80]  }
0x137: {  	s0 =	sadd.s32 $0x10, s0  }
0x138: {  	v4 =	vld [tilespmem:s0+$0x0];
	_ =	sdelay $0x4  }
0x139: {  	v2 =	vld.idx.msk [tilespmem:v2+s24+$0x0], $0xffff  }
0x13a: {  	v3 =	vld.idx.msk [tilespmem:v3+s3+$0x0], $0xffff;
	_ =	sdelay $0x1  }
0x13b: {  	v4 =	vld.idx.msk [tilespmem:v4+s25+$0x0], $0xffff;
	_ =	sdelay $0x1  }
0x13c: {  	s31 =	sadd.s32 $0x10, s31  }
0x13d: {  	v5 =	vld [tilespmem:s31+$0x0]  }
0x13e: {  	v2 =	vadd.f32 v2, v3;
	_ =	sdelay $0x1  }
0x13f: {  	v2 =	vadd.f32 v4, v2;
	_ =	sdelay $0x1  }
0x140: {  	v2 =	vadd.f32 v5, v2;
	_ =	sdelay $0x1  }
0x141: {  	v3 =	vmul.f32 $1.000000010e-01, v2  }
0x142: {  	vm0 =	vge.f32 v2, $0.0e+00  }
0x143: {  	v2 =	vsel vm0, v2, v3  }
.Ltmp6:
0x144: {  	v2 =	vmul.f32 v2, v0;
	(pc) =	sbr.rel @p1 .LBB2_9-.Ltmp6, $4  }
0x145: {  	_ = 	snop  }
0x146: {  	s2 =	sadd.s32 $0x20, s2;
	v2 =	vadd.f32 v2, v1  }
0x147: {  	s30 =	sadd.s32 $0x10, s30;
	s10 =	sand.u32 $0x70, s1;
	s11 =	sand.u32 $0x1F00, s2  }
0x148: {  	s1 =	sadd.s32 $0x10, s1;
	s10 =	sor.u32 s10, s11;
	[tilespmem:s30+$0x0] =	vst v2  }
.Ltmp7:
0x149: {  	_ = 	snop;
	(pc) =	sbr.rel .LBB2_10-.Ltmp7, $1  }
0x14a: {  	_ =	sdelay $0x3  }
.LBB2_12:
0x14b: {  	_ =	sfence.sel $0x180000  }
0x14c: {  	[bflag:$0x0] =	sbarrier.arrive $0xFFFF  }
0x14d: {  	_ =	strace $0x90000047  }
0x14e: {  	s0 =	stileid.u32;
	[bflag:$0x2] =	sbarrier.arrive $0xFFFF  }
0x14f: {  	p0 =	sne.s32 s0, $0x0;
	s0 =	rddreg [dreg:$0x4]  }
0x150: {  	s0 =	sadd.s32 @!p0 $0x100000, s0  }
0x151: {  	[sflag:s0] =	ssyncadd.tile.s32 @!p0 $0x1;
	_ =	shalt  }
.Lfunc_end2:
_tile_overlayer_lowered:
.L_overlay_start_2:
0x152: {  	(tag) =	ssettag $0x2  }
0x153: {  	s0 =	rddreg [dreg:$0x0];
	s2 =	stileid.u32  }
0x154: {  	s1 =	rddreg [dreg:$0x1];
	p0 =	sne.s32 s2, $0x0  }
0x155: {  	s3 =	rddreg [dreg:$0x2];
	[bflag:$0x3] =	sbarrier.arrive $0xFFFF;
	s2 =	simm.s32 @!p0 $0x1C01  }
0x156: {  	[timem:s3], [sflag:s2] =	dma.local @!p0 [hbm:s0], s1  }
0x157: {  	s0 =	simm.s32 @!p0 $0x1  }
0x158: {  	_ =	swait.ge @!p0 [sflag:s0], s1  }
0x159: {  	s1 =	ssub.s32 @!p0 $0x0, s1;
	[sflag:s0] =	ssyncset.done @!p0 $0x0  }
0x15a: {  	[sflag:s0] =	ssyncadd.s32 @!p0 s1  }
0x15b: {  	[bflag:$0x3] =	sbarrier.arrive $0xFFFF  }
0x15c: {  	_ =	shalt  }

</sc_bundles>
